<compile_context>
chip_gen: v7x
topology: tpu7x:2x2x1
jax: 0.10.2.dev20260603
libtpu: 0.0.44.dev20260713+nightly
codegen_flags: <defaults>
</compile_context>

<pallas_src>
import functools

import jax
import jax.numpy as jnp
from jax import lax
from jax.experimental import pallas as pl
from jax.experimental.pallas import tpu as pltpu
from jax.experimental.pallas import tpu_sc as plsc

D = 2
FD = 64
DF = D * FD
NCORE = 2
NSUB = 16
NW = NCORE * NSUB
C = 80


def _node_pad(n):
    per_tile = ((n + NSUB * C - 1) // (NSUB * C)) * C
    return NSUB * per_tile, per_tile


def _deg_sc(e_total, n_pad):
    ept = e_total // NW
    nch = ept // C
    mesh = plsc.VectorSubcoreMesh(core_axis_name="c", subcore_axis_name="s")

    @functools.partial(
        pl.kernel,
        mesh=mesh,
        out_type=jax.ShapeDtypeStruct((NW, n_pad * 8), jnp.float32),
        scratch_types=[
            pltpu.VMEM((C,), jnp.int32),
            pltpu.VMEM((n_pad * 8,), jnp.float32),
        ],
    )
    def deg_k(row_hbm, out_hbm, idx_v, hist_l):
        cid = lax.axis_index("c")
        sid = lax.axis_index("s")
        wid = cid * NSUB + sid
        zero16 = jnp.zeros((16,), jnp.float32)
        lanes = lax.iota(jnp.int32, 16)
        e0 = jnp.where(lanes == 0, jnp.full((16,), 1.0, jnp.float32), zero16)

        def z(i, _):
            hist_l[pl.ds(i * 16, 16)] = zero16
            return 0

        lax.fori_loop(0, n_pad * 8 // 16, z, 0)

        base = wid * ept

        def chunk(i, _):
            pltpu.sync_copy(row_hbm.at[pl.ds(base + i * C, C)], idx_v)

            def group(g, _):
                idx16 = idx_v[pl.ds(g * 16, 16)]
                off16 = idx16 * 8
                for l in range(16):
                    off = off16[l]
                    hist_l[pl.ds(off, 16)] = hist_l[pl.ds(off, 16)] + e0
                return 0

            lax.fori_loop(0, C // 16, group, 0)
            return 0

        lax.fori_loop(0, nch, chunk, 0)
        pltpu.sync_copy(hist_l, out_hbm.at[wid])

    return deg_k


def _edge_sc(e_total, n_pad, rows_per_tile):
    ept = e_total // NW
    nch = ept // C
    zch = rows_per_tile // C
    mesh = plsc.VectorSubcoreMesh(core_axis_name="c", subcore_axis_name="s")

    @functools.partial(
        pl.kernel,
        mesh=mesh,
        out_type=jax.ShapeDtypeStruct((NCORE, n_pad, DF), jnp.float32),
        scratch_types=[
            pltpu.VMEM((C,), jnp.int32),
            pltpu.VMEM((C,), jnp.int32),
            pltpu.VMEM((C, DF), jnp.float32),
            pltpu.VMEM((C, DF), jnp.float32),
            pltpu.VMEM((C, DF), jnp.float32),
            pltpu.VMEM((C, DF), jnp.float32),
            pltpu.VMEM((4, FD), jnp.float32),
            pltpu.VMEM_SHARED((n_pad, DF), jnp.float32),
            pltpu.SemaphoreType.DMA,
            pltpu.SemaphoreType.DMA,
            pltpu.SemaphoreType.DMA,
        ],
    )
    def edge_k(row_hbm, col_hbm, uv_hbm, xs_hbm, consts_hbm, out_hbm,
               ridx, cidx, uvc, uvr, xsr, msg, cvm, agg_sh, sem1, sem2, sem3):
        cid = lax.axis_index("c")
        sid = lax.axis_index("s")
        wid = cid * NSUB + sid

        def zstore(i, _):
            msg[i // 8, pl.ds((i % 8) * 16, 16)] = jnp.zeros((16,), jnp.float32)
            return 0

        lax.fori_loop(0, C * 8, zstore, 0)

        def zcopy(i, _):
            pltpu.sync_copy(msg,
                            agg_sh.at[pl.ds(sid * rows_per_tile + i * C, C)])
            return 0

        lax.fori_loop(0, zch, zcopy, 0)
        pltpu.sync_copy(consts_hbm, cvm)
        plsc.subcore_barrier()

        b1v = [cvm[0, pl.ds(k * 16, 16)] for k in range(4)]
        w2v = [cvm[1, pl.ds(k * 16, 16)] for k in range(4)]
        b2e0 = cvm[2, pl.ds(0, 16)]

        base = wid * ept

        def chunk(ci, _):
            off = base + ci * C
            pltpu.sync_copy(row_hbm.at[pl.ds(off, C)], ridx)
            pltpu.sync_copy(col_hbm.at[pl.ds(off, C)], cidx)
            cp1 = pltpu.async_copy(uv_hbm.at[cidx], uvc, sem1)
            cp2 = pltpu.async_copy(uv_hbm.at[ridx], uvr, sem2)
            cp3 = pltpu.async_copy(xs_hbm.at[ridx], xsr, sem3)
            cp1.wait()
            cp2.wait()
            cp3.wait()

            def edge(e, _):
                acc = b2e0
                for k in range(4):
                    uk = uvc[e, pl.ds(k * 16, 16)]
                    vk = uvr[e, pl.ds(FD + k * 16, 16)]
                    hk = jnp.maximum(uk + vk + b1v[k], 0.0)
                    acc = acc + hk * w2v[k]
                lanes = lax.iota(jnp.int32, 16)
                dnums = lax.GatherDimensionNumbers(
                    offset_dims=(), collapsed_slice_dims=(0,),
                    start_index_map=(0,))
                for sh in (1, 2, 4, 8):
                    idx = jnp.bitwise_and(lanes + sh, 15)
                    rot = lax.gather(
                        acc, idx[:, None], dnums, (1,),
                        mode=lax.GatherScatterMode.PROMISE_IN_BOUNDS)
                    acc = acc + rot
                pv = acc
                s2 = 1.0 + pv * pv
                ib = lax.bitcast_convert_type(s2, jnp.int32)
                ib = jnp.int32(0x5F3759DF) - lax.shift_right_arithmetic(ib, 1)
                y = lax.bitcast_convert_type(ib, jnp.float32)
                for _ in range(3):
                    y = y * (1.5 - 0.5 * s2 * y * y)
                c_ = y
                t_ = pv * y
                q00 = jnp.where(pv == 0.0, c_, -c_)
                for k in range(4):
                    x0 = xsr[e, pl.ds(k * 16, 16)]
                    x1 = xsr[e, pl.ds(FD + k * 16, 16)]
                    msg[e, pl.ds(k * 16, 16)] = q00 * x0 - t_ * x1
                    msg[e, pl.ds(FD + k * 16, 16)] = c_ * x1 - t_ * x0
                return 0

            lax.fori_loop(0, C, edge, 0)
            pltpu.sync_copy(msg, agg_sh.at[cidx], add=True)
            return 0

        lax.fori_loop(0, nch, chunk, 0)
        plsc.subcore_barrier()

        def wb(i, _):
            r0 = sid * rows_per_tile + i * C
            pltpu.sync_copy(agg_sh.at[pl.ds(r0, C)],
                            out_hbm.at[cid, pl.ds(r0, C)])
            return 0

        lax.fori_loop(0, zch, wb, 0)

    return edge_k


def _node_tc(n):
    def body(x_ref, w_ref, deg_ref, cvec_ref, uv_ref, xs_ref, self_ref):
        xv = x_ref[...]
        r = jnp.dot(xv, w_ref[...], preferred_element_type=jnp.float32)
        dis = lax.rsqrt(deg_ref[:n, :])
        uv = r[:, :DF]
        xs = r[:, DF:] * dis
        uv_ref[...] = uv
        xs_ref[...] = xs
        b1 = cvec_ref[0:1, :FD]
        w2 = cvec_ref[1:2, :FD]
        h = jnp.maximum(uv[:, :FD] + uv[:, FD:] + b1, 0.0)
        p = jnp.sum(h * w2, axis=1, keepdims=True) + cvec_ref[2:3, 0:1]
        y = lax.rsqrt(1.0 + p * p)
        t = p * y
        q00 = jnp.where(p == 0.0, y, -y)
        x0 = xs[:, :FD]
        x1 = xs[:, FD:]
        self_ref[...] = jnp.concatenate(
            [q00 * x0 - t * x1, y * x1 - t * x0], axis=1)

    return body


def _final_tc(n):
    def body(x_ref, agg_ref, self_ref, deg_ref, coeff_ref, out_ref):
        a = agg_ref[0, :n, :] + agg_ref[1, :n, :] + self_ref[...]
        dis = lax.rsqrt(deg_ref[:n, :])
        z = a * dis
        elz = jnp.where(z > 0.0, z, jnp.exp(jnp.minimum(z, 0.0)) - 1.0)
        out_ref[...] = x_ref[...] - coeff_ref[0:1, :] * elz

    return body


def kernel(x, edge_index, W1, W2, epsilons, mlp_w1, mlp_b1, mlp_w2, mlp_b2):
    n = x.shape[0]
    e = edge_index.shape[1]
    n_pad, rows_per_tile = _node_pad(n)

    M = jnp.kron(W1, W2)
    WU = M @ mlp_w1[:, :DF].T
    WV = M @ mlp_w1[:, DF:].T
    Wcat = jnp.concatenate([WU, WV, M], axis=1)
    coeff = 1.0 + jnp.tanh(epsilons)
    coeff_row = jnp.tile(jnp.repeat(coeff, FD)[None, :], (8, 1))
    consts = jnp.stack([
        mlp_b1,
        mlp_w2[0],
        jnp.zeros((FD,), jnp.float32).at[0].set(mlp_b2[0]),
        jnp.zeros((FD,), jnp.float32),
    ])
    cvec = jnp.pad(consts, ((0, 4), (0, 0)))

    row = edge_index[0].astype(jnp.int32)
    col = edge_index[1].astype(jnp.int32)

    hists = _deg_sc(e, n_pad)(row)
    deg_col = (jnp.sum(hists.reshape(NW, n_pad, 8)[:, :, 0], axis=0) + 1.0).reshape(n_pad, 1)

    uv_tab, xs_tab, self_msg = pl.pallas_call(
        _node_tc(n),
        out_shape=[
            jax.ShapeDtypeStruct((n, DF), jnp.float32),
            jax.ShapeDtypeStruct((n, DF), jnp.float32),
            jax.ShapeDtypeStruct((n, DF), jnp.float32),
        ],
    )(x, Wcat, deg_col, cvec)

    agg = _edge_sc(e, n_pad, rows_per_tile)(row, col, uv_tab, xs_tab, consts)

    out = pl.pallas_call(
        _final_tc(n),
        out_shape=jax.ShapeDtypeStruct((n, DF), jnp.float32),
    )(x, agg, self_msg, deg_col, coeff_row)
    return out

# --- scband reference (transcript-rebuilt; emitter-appended) ---
"""Pipeline reference for scband-neural-sheaf-diffusion-34248069219259 (READ-ONLY COPY).

The authoritative reference and input builder live on the scoring server;
editing this copy changes nothing except your own understanding.
"""

import jax, jax.numpy as jnp
import numpy as np

N = 10000
E = 320000
D = 2
FD = 64  # hidden_channels
NUM_PARAMS = D * (D - 1) // 2  # householder params = 1


def setup_inputs(seed: int = 0) -> dict:
    key = jax.random.key(seed)
    ks = jax.random.split(key, 8)
    x = jax.random.normal(ks[0], (N, D * FD), dtype=jnp.float32)
    edge_index = jax.random.randint(ks[1], (2, E), 0, N)
    W1 = jax.random.normal(ks[2], (D, D), dtype=jnp.float32) * (1.0 / np.sqrt(D))
    W2 = jax.random.normal(ks[3], (FD, FD), dtype=jnp.float32) * (1.0 / np.sqrt(FD))
    epsilons = jnp.zeros((D,), dtype=jnp.float32)
    mlp_w1 = jax.random.normal(ks[4], (FD, 2 * D * FD), dtype=jnp.float32) * (1.0 / np.sqrt(2 * D * FD))
    mlp_b1 = jnp.zeros((FD,), dtype=jnp.float32)
    mlp_w2 = jax.random.normal(ks[5], (NUM_PARAMS, FD), dtype=jnp.float32) * (1.0 / np.sqrt(FD))
    mlp_b2 = jnp.zeros((NUM_PARAMS,), dtype=jnp.float32)
    return {"x": x, "edge_index": edge_index, "W1": W1, "W2": W2,
            "epsilons": epsilons, "mlp_w1": mlp_w1, "mlp_b1": mlp_b1,
            "mlp_w2": mlp_w2, "mlp_b2": mlp_b2}


def _householder(params, d):
    # params: [E', num_params] -> Q: [E', d, d] via QR of (I + strictly-lower-tri fill)
    tr, tc = np.tril_indices(d, k=-1)
    A = jnp.zeros((params.shape[0], d, d), dtype=params.dtype)
    A = A.at[:, tr, tc].set(params)
    A = A + jnp.eye(d, dtype=params.dtype)
    Q, _ = jnp.linalg.qr(A)
    return Q


def reference(x, edge_index, W1, W2, epsilons, mlp_w1, mlp_b1, mlp_w2, mlp_b2):
    n = x.shape[0]
    xr = x.reshape(n, D, FD)
    x_original = xr
    # W1/W2 transform (matches torch einsums on nn.Linear weights)
    xt = jnp.einsum('ndf,dk->nkf', xr, W1)
    xt = jnp.einsum('ndf,fg->ndg', xt, W2)
    # add self loops
    loops = jnp.arange(n, dtype=edge_index.dtype)
    ei = jnp.concatenate([edge_index, jnp.stack([loops, loops])], axis=1)
    row, col = ei[0], ei[1]
    # symmetric degree normalization (degree of row / source)
    deg = jnp.zeros((n,), dtype=x.dtype).at[row].add(1.0)
    deg_inv_sqrt = jnp.where(deg > 0, deg ** -0.5, 0.0)
    x_flat = xt.reshape(n, D * FD)
    # message: per-edge restriction maps from concatenated endpoint features
    x_j = x_flat[row]
    x_i = x_flat[col]
    cat = jnp.concatenate([x_i, x_j], axis=-1)
    h = jax.nn.relu(cat @ mlp_w1.T + mlp_b1)
    params = h @ mlp_w2.T + mlp_b2
    Q = _householder(params, D)  # [E', D, D] orthogonal restriction maps
    msg = jnp.einsum('eij,ejf->eif', Q, x_j.reshape(-1, D, FD))
    norm = deg_inv_sqrt[row] * deg_inv_sqrt[col]
    msg = msg * norm[:, None, None]
    # aggregate (scatter-add at target nodes)
    agg = jnp.zeros((n, D, FD), dtype=x.dtype).at[col].add(msg)
    sheaf_out = jax.nn.elu(agg)
    coeff = 1.0 + jnp.tanh(epsilons)
    out = x_original - coeff[None, :, None] * sheaf_out
    return out.reshape(n, D * FD)

if __name__ == "__main__":
    import jax
    _d = setup_inputs()
    print(jax.jit(kernel)(*tuple(_d.values())))

</pallas_src>

<mosaic_0001>
#map = affine_map<(d0, d1) -> (0)>
#map1 = affine_map<(d0, d1) -> (0, 0)>
#map2 = affine_map<(d0, d1) -> (0, 0, 0)>
module attributes {stable_mosaic.version = 14 : i64} {
  func.func @edge_k(%arg0: i32, %arg1: i32, %arg2: memref<320000xi32, #tpu.memory_space<hbm>>, %arg3: memref<320000xi32, #tpu.memory_space<hbm>>, %arg4: memref<10000x128xf32, #tpu.memory_space<hbm>>, %arg5: memref<10000x128xf32, #tpu.memory_space<hbm>>, %arg6: memref<4x64xf32, #tpu.memory_space<hbm>>, %arg7: memref<2x10240x128xf32, #tpu.memory_space<hbm>>, %arg8: memref<80xi32, #tpu.memory_space<vmem>>, %arg9: memref<80xi32, #tpu.memory_space<vmem>>, %arg10: memref<80x128xf32, #tpu.memory_space<vmem>>, %arg11: memref<80x128xf32, #tpu.memory_space<vmem>>, %arg12: memref<80x128xf32, #tpu.memory_space<vmem>>, %arg13: memref<80x128xf32, #tpu.memory_space<vmem>>, %arg14: memref<4x64xf32, #tpu.memory_space<vmem>>, %arg15: memref<10240x128xf32, #tpu.memory_space<vmem_shared>>, %arg16: memref<!tpu.dma_semaphore, #tpu.memory_space<semaphore_mem>>, %arg17: memref<!tpu.dma_semaphore, #tpu.memory_space<semaphore_mem>>, %arg18: memref<!tpu.dma_semaphore, #tpu.memory_space<semaphore_mem>>) attributes {dimension_semantics = [#tpu.dimension_semantics<core_parallel>, #tpu.dimension_semantics<subcore_parallel>], iteration_bounds = array<i64: 2, 16>, scalar_prefetch = 0 : i64, scratch_operands = 11 : i64, tpu.core_type = #tpu.core_type<sc_vector_subcore>, window_params = [{transform_indices = #map}, {transform_indices = #map}, {transform_indices = #map1}, {transform_indices = #map1}, {transform_indices = #map1}, {transform_indices = #map2}]} {
    %mul3A = arith.constant 16 : i32
    %mul3A_0 = arith.muli %arg0, %mul3A : i32
    %add3A = arith.addi %mul3A_0, %arg1 : i32
    %scan3A = arith.constant 0 : i32
    %scan3A_1 = arith.constant 0 : i32
    %scan3A_2 = arith.constant 640 : i32
    %scan3A_3 = arith.addi %scan3A_1, %scan3A_2 : i32
    %scan3A_4 = arith.constant 1 : i32
    %scan3A_5 = scf.for %scan3A_75 = %scan3A_1 to %scan3A_3 step %scan3A_4 iter_args(%scan3A_76 = %scan3A) -> (i32)  : i32 {
      %broadcast_in_dim3A = arith.constant 0.000000e+00 : f32
      %broadcast_in_dim3A_77 = vector.broadcast %broadcast_in_dim3A : f32 to vector<16xf32>
      %jit3A = arith.constant 8 : i32
      %div3A = arith.divsi %scan3A_75, %jit3A : i32
      %sign3A = arith.constant 0 : i32
      %sign3A_78 = arith.cmpi sgt, %scan3A_75, %sign3A : i32
      %sign3A_79 = arith.extui %sign3A_78 : i1 to i32
      %sign3A_80 = arith.constant 0 : i32
      %sign3A_81 = arith.cmpi slt, %scan3A_75, %sign3A_80 : i32
      %sign3A_82 = arith.extui %sign3A_81 : i1 to i32
      %sign3A_83 = arith.subi %sign3A_79, %sign3A_82 : i32
      %sign3A_84 = arith.constant 0 : i32
      %sign3A_85 = arith.cmpi sgt, %jit3A, %sign3A_84 : i32
      %sign3A_86 = arith.extui %sign3A_85 : i1 to i32
      %sign3A_87 = arith.constant 0 : i32
      %sign3A_88 = arith.cmpi slt, %jit3A, %sign3A_87 : i32
      %sign3A_89 = arith.extui %sign3A_88 : i1 to i32
      %sign3A_90 = arith.subi %sign3A_86, %sign3A_89 : i32
      %ne3A = arith.cmpi ne, %sign3A_83, %sign3A_90 : i32
      %rem3A = arith.remsi %scan3A_75, %jit3A : i32
      %ne3A_91 = arith.constant 0 : i32
      %ne3A_92 = arith.cmpi ne, %rem3A, %ne3A_91 : i32
      %and3A = arith.andi %ne3A, %ne3A_92 : i1
      %sub3A = arith.constant 1 : i32
      %sub3A_93 = arith.subi %div3A, %sub3A : i32
      %select_n3A = arith.select %and3A, %sub3A_93, %div3A : i32
      %jit3A_94 = arith.constant 8 : i32
      %eq3A = arith.constant 0 : i32
      %eq3A_95 = arith.cmpi eq, %jit3A_94, %eq3A : i32
      %jit3A_96 = arith.constant 1 : i32
      %select_n3A_97 = arith.select %eq3A_95, %jit3A_96, %jit3A_94 : i32
      %rem3A_98 = arith.remsi %scan3A_75, %select_n3A_97 : i32
      %ne3A_99 = arith.constant 0 : i32
      %ne3A_100 = arith.cmpi ne, %rem3A_98, %ne3A_99 : i32
      %lt3A = arith.constant 0 : i32
      %lt3A_101 = arith.cmpi slt, %rem3A_98, %lt3A : i32
      %lt3A_102 = arith.constant 0 : i32
      %lt3A_103 = arith.cmpi slt, %select_n3A_97, %lt3A_102 : i32
      %ne3A_104 = arith.xori %lt3A_101, %lt3A_103 : i1
      %and3A_105 = arith.andi %ne3A_104, %ne3A_100 : i1
      %add3A_106 = arith.addi %rem3A_98, %select_n3A_97 : i32
      %select_n3A_107 = arith.select %and3A_105, %add3A_106, %rem3A_98 : i32
      %mul3A_108 = arith.constant 16 : i32
      %mul3A_109 = arith.muli %select_n3A_107, %mul3A_108 : i32
      %swap3A = arith.index_cast %select_n3A : i32 to index
      %swap3A_110 = arith.index_cast %mul3A_109 : i32 to index
      %swap3A_111 = tpu.vector_load %arg13[%swap3A, %swap3A_110] {strides = array<i32>} : memref<80x128xf32, #tpu.memory_space<vmem>>, vector<1x16xf32>,
      %swap3A_112 = vector.shape_cast %swap3A_111 : vector<1x16xf32> to vector<16xf32>
      %swap3A_113 = vector.shape_cast %broadcast_in_dim3A_77 : vector<16xf32> to vector<1x16xf32>
      tpu.vector_store %arg13[%swap3A, %swap3A_110], %swap3A_113 {strides = array<i32>} : memref<80x128xf32, #tpu.memory_space<vmem>>, vector<1x16xf32>,
      %scan3A_114 = arith.constant 0 : i32
      scf.yield %scan3A_114 : i32
    }
    %scan3A_6 = arith.constant 640 : i32
    %scan3A_7 = arith.constant 0 : i32
    %scan3A_8 = arith.constant 0 : i32
    %scan3A_9 = arith.constant 8 : i32
    %scan3A_10 = arith.addi %scan3A_8, %scan3A_9 : i32
    %scan3A_11 = arith.constant 1 : i32
    %scan3A_12 = scf.for %scan3A_75 = %scan3A_8 to %scan3A_10 step %scan3A_11 iter_args(%scan3A_76 = %scan3A_7) -> (i32)  : i32 {
      %mul3A_77 = arith.constant 640 : i32
      %mul3A_78 = arith.muli %arg1, %mul3A_77 : i32
      %mul3A_79 = arith.constant 80 : i32
      %mul3A_80 = arith.muli %scan3A_75, %mul3A_79 : i32
      %add3A_81 = arith.addi %mul3A_78, %mul3A_80 : i32
      "tpu.region"() ({
        %run_scoped3A = tpu.sem_alloc : memref<!tpu.dma_semaphore, #tpu.memory_space<semaphore_mem>>
        %dma_start3A = arith.constant 0 : i32
        %dma_start3A_83 = tpu.memref_slice %arg15[%add3A_81, %dma_start3A] : memref<10240x128xf32, #tpu.memory_space<vmem_shared>> -> memref<80x128xf32, #tpu.memory_space<vmem_shared>>
        %dma_start3A_84 = arith.constant 0 : i32
        %dma_start3A_85 = tpu.memref_slice %arg15[%add3A_81, %dma_start3A_84] : memref<10240x128xf32, #tpu.memory_space<vmem_shared>> -> memref<80x128xf32, #tpu.memory_space<vmem_shared>>
        tpu.enqueue_dma source(%arg13 : memref<80x128xf32, #tpu.memory_space<vmem>>) target(%dma_start3A_85 : memref<80x128xf32, #tpu.memory_space<vmem_shared>>) target_semaphore(%run_scoped3A : memref<!tpu.dma_semaphore, #tpu.memory_space<semaphore_mem>>)
        %dma_wait3A = arith.constant 0 : i32
        %dma_wait3A_86 = tpu.memref_slice %arg15[%add3A_81, %dma_wait3A] : memref<10240x128xf32, #tpu.memory_space<vmem_shared>> -> memref<80x128xf32, #tpu.memory_space<vmem_shared>>
        %dma_wait3A_87 = arith.constant 0 : i32
        %dma_wait3A_88 = tpu.memref_slice %arg15[%add3A_81, %dma_wait3A_87] : memref<10240x128xf32, #tpu.memory_space<vmem_shared>> -> memref<80x128xf32, #tpu.memory_space<vmem_shared>>
        tpu.wait_dma2 semaphore(%run_scoped3A : memref<!tpu.dma_semaphore, #tpu.memory_space<semaphore_mem>>) src(%arg13 : memref<80x128xf32, #tpu.memory_space<vmem>>) dst(%dma_wait3A_88 : memref<80x128xf32, #tpu.memory_space<vmem_shared>>)
        tpu.yield
      }) : () -> ()
      %scan3A_82 = arith.constant 0 : i32
      scf.yield %scan3A_82 : i32
    }
    %scan3A_13 = arith.constant 8 : i32
    "tpu.region"() ({
      %run_scoped3A = tpu.sem_alloc : memref<!tpu.dma_semaphore, #tpu.memory_space<semaphore_mem>>
      tpu.enqueue_dma source(%arg6 : memref<4x64xf32, #tpu.memory_space<hbm>>) target(%arg14 : memref<4x64xf32, #tpu.memory_space<vmem>>) target_semaphore(%run_scoped3A : memref<!tpu.dma_semaphore, #tpu.memory_space<semaphore_mem>>)
      tpu.wait_dma2 semaphore(%run_scoped3A : memref<!tpu.dma_semaphore, #tpu.memory_space<semaphore_mem>>) src(%arg6 : memref<4x64xf32, #tpu.memory_space<hbm>>) dst(%arg14 : memref<4x64xf32, #tpu.memory_space<vmem>>)
      tpu.yield
    }) : () -> ()
    %barrier3A = arith.constant 0 : index
    tpu.barrier barrier_id(%barrier3A)
    %get3A = arith.constant 0 : i32
    %get3A_14 = arith.index_cast %get3A : i32 to index
    %get3A_15 = arith.constant 0 : index
    %get3A_16 = tpu.vector_load %arg14[%get3A_14, %get3A_15] {strides = array<i32>} : memref<4x64xf32, #tpu.memory_space<vmem>>, vector<1x16xf32>,
    %get3A_17 = vector.shape_cast %get3A_16 : vector<1x16xf32> to vector<16xf32>
    %get3A_18 = arith.constant 0 : i32
    %get3A_19 = arith.index_cast %get3A_18 : i32 to index
    %get3A_20 = arith.constant 16 : index
    %get3A_21 = tpu.vector_load %arg14[%get3A_19, %get3A_20] {strides = array<i32>} : memref<4x64xf32, #tpu.memory_space<vmem>>, vector<1x16xf32>,
    %get3A_22 = vector.shape_cast %get3A_21 : vector<1x16xf32> to vector<16xf32>
    %get3A_23 = arith.constant 0 : i32
    %get3A_24 = arith.index_cast %get3A_23 : i32 to index
    %get3A_25 = arith.constant 32 : index
    %get3A_26 = tpu.vector_load %arg14[%get3A_24, %get3A_25] {strides = array<i32>} : memref<4x64xf32, #tpu.memory_space<vmem>>, vector<1x16xf32>,
    %get3A_27 = vector.shape_cast %get3A_26 : vector<1x16xf32> to vector<16xf32>
    %get3A_28 = arith.constant 0 : i32
    %get3A_29 = arith.index_cast %get3A_28 : i32 to index
    %get3A_30 = arith.constant 48 : index
    %get3A_31 = tpu.vector_load %arg14[%get3A_29, %get3A_30] {strides = array<i32>} : memref<4x64xf32, #tpu.memory_space<vmem>>, vector<1x16xf32>,
    %get3A_32 = vector.shape_cast %get3A_31 : vector<1x16xf32> to vector<16xf32>
    %get3A_33 = arith.constant 1 : i32
    %get3A_34 = arith.index_cast %get3A_33 : i32 to index
    %get3A_35 = arith.constant 0 : index
    %get3A_36 = tpu.vector_load %arg14[%get3A_34, %get3A_35] {strides = array<i32>} : memref<4x64xf32, #tpu.memory_space<vmem>>, vector<1x16xf32>,
    %get3A_37 = vector.shape_cast %get3A_36 : vector<1x16xf32> to vector<16xf32>
    %get3A_38 = arith.constant 1 : i32
    %get3A_39 = arith.index_cast %get3A_38 : i32 to index
    %get3A_40 = arith.constant 16 : index
    %get3A_41 = tpu.vector_load %arg14[%get3A_39, %get3A_40] {strides = array<i32>} : memref<4x64xf32, #tpu.memory_space<vmem>>, vector<1x16xf32>,
    %get3A_42 = vector.shape_cast %get3A_41 : vector<1x16xf32> to vector<16xf32>
    %get3A_43 = arith.constant 1 : i32
    %get3A_44 = arith.index_cast %get3A_43 : i32 to index
    %get3A_45 = arith.constant 32 : index
    %get3A_46 = tpu.vector_load %arg14[%get3A_44, %get3A_45] {strides = array<i32>} : memref<4x64xf32, #tpu.memory_space<vmem>>, vector<1x16xf32>,
    %get3A_47 = vector.shape_cast %get3A_46 : vector<1x16xf32> to vector<16xf32>
    %get3A_48 = arith.constant 1 : i32
    %get3A_49 = arith.index_cast %get3A_48 : i32 to index
    %get3A_50 = arith.constant 48 : index
    %get3A_51 = tpu.vector_load %arg14[%get3A_49, %get3A_50] {strides = array<i32>} : memref<4x64xf32, #tpu.memory_space<vmem>>, vector<1x16xf32>,
    %get3A_52 = vector.shape_cast %get3A_51 : vector<1x16xf32> to vector<16xf32>
    %get3A_53 = arith.constant 2 : i32
    %get3A_54 = arith.index_cast %get3A_53 : i32 to index
    %get3A_55 = arith.constant 0 : index
    %get3A_56 = tpu.vector_load %arg14[%get3A_54, %get3A_55] {strides = array<i32>} : memref<4x64xf32, #tpu.memory_space<vmem>>, vector<1x16xf32>,
    %get3A_57 = vector.shape_cast %get3A_56 : vector<1x16xf32> to vector<16xf32>
    %mul3A_58 = arith.constant 10000 : i32
    %mul3A_59 = arith.muli %add3A, %mul3A_58 : i32
    %scan3A_60 = arith.constant 0 : i32
    %scan3A_61 = arith.constant 0 : i32
    %scan3A_62 = arith.constant 125 : i32
    %scan3A_63 = arith.addi %scan3A_61, %scan3A_62 : i32
    %scan3A_64 = arith.constant 1 : i32
    %scan3A_65 = scf.for %scan3A_75 = %scan3A_61 to %scan3A_63 step %scan3A_64 iter_args(%scan3A_76 = %scan3A_60) -> (i32)  : i32 {
      %mul3A_77 = arith.constant 80 : i32
      %mul3A_78 = arith.muli %scan3A_75, %mul3A_77 : i32
      %add3A_79 = arith.addi %mul3A_59, %mul3A_78 : i32
      "tpu.region"() ({
        %run_scoped3A = tpu.sem_alloc : memref<!tpu.dma_semaphore, #tpu.memory_space<semaphore_mem>>
        %dma_start3A_104 = tpu.memref_slice %arg2[%add3A_79] : memref<320000xi32, #tpu.memory_space<hbm>> -> memref<80xi32, #tpu.memory_space<hbm>>
        %dma_start3A_105 = tpu.memref_slice %arg2[%add3A_79] : memref<320000xi32, #tpu.memory_space<hbm>> -> memref<80xi32, #tpu.memory_space<hbm>>
        tpu.enqueue_dma source(%dma_start3A_105 : memref<80xi32, #tpu.memory_space<hbm>>) target(%arg8 : memref<80xi32, #tpu.memory_space<vmem>>) target_semaphore(%run_scoped3A : memref<!tpu.dma_semaphore, #tpu.memory_space<semaphore_mem>>)
        %dma_wait3A_106 = tpu.memref_slice %arg2[%add3A_79] : memref<320000xi32, #tpu.memory_space<hbm>> -> memref<80xi32, #tpu.memory_space<hbm>>
        %dma_wait3A_107 = tpu.memref_slice %arg2[%add3A_79] : memref<320000xi32, #tpu.memory_space<hbm>> -> memref<80xi32, #tpu.memory_space<hbm>>
        tpu.wait_dma2 semaphore(%run_scoped3A : memref<!tpu.dma_semaphore, #tpu.memory_space<semaphore_mem>>) src(%dma_wait3A_107 : memref<80xi32, #tpu.memory_space<hbm>>) dst(%arg8 : memref<80xi32, #tpu.memory_space<vmem>>)
        tpu.yield
      }) : () -> ()
      "tpu.region"() ({
        %run_scoped3A = tpu.sem_alloc : memref<!tpu.dma_semaphore, #tpu.memory_space<semaphore_mem>>
        %dma_start3A_104 = tpu.memref_slice %arg3[%add3A_79] : memref<320000xi32, #tpu.memory_space<hbm>> -> memref<80xi32, #tpu.memory_space<hbm>>
        %dma_start3A_105 = tpu.memref_slice %arg3[%add3A_79] : memref<320000xi32, #tpu.memory_space<hbm>> -> memref<80xi32, #tpu.memory_space<hbm>>
        tpu.enqueue_dma source(%dma_start3A_105 : memref<80xi32, #tpu.memory_space<hbm>>) target(%arg9 : memref<80xi32, #tpu.memory_space<vmem>>) target_semaphore(%run_scoped3A : memref<!tpu.dma_semaphore, #tpu.memory_space<semaphore_mem>>)
        %dma_wait3A_106 = tpu.memref_slice %arg3[%add3A_79] : memref<320000xi32, #tpu.memory_space<hbm>> -> memref<80xi32, #tpu.memory_space<hbm>>
        %dma_wait3A_107 = tpu.memref_slice %arg3[%add3A_79] : memref<320000xi32, #tpu.memory_space<hbm>> -> memref<80xi32, #tpu.memory_space<hbm>>
        tpu.wait_dma2 semaphore(%run_scoped3A : memref<!tpu.dma_semaphore, #tpu.memory_space<semaphore_mem>>) src(%dma_wait3A_107 : memref<80xi32, #tpu.memory_space<hbm>>) dst(%arg9 : memref<80xi32, #tpu.memory_space<vmem>>)
        tpu.yield
      }) : () -> ()
      %dma_start3A = arith.constant 0 : i32
      %dma_start3A_80 = arith.constant 0 : i32
      %dma_start3A_81 = tpu.memref_slice %arg4[%dma_start3A, %dma_start3A_80] : memref<10000x128xf32, #tpu.memory_space<hbm>> -> memref<10000x128xf32, #tpu.memory_space<hbm>>
      tpu.enqueue_indirect_dma source(%dma_start3A_81 : memref<10000x128xf32, #tpu.memory_space<hbm>>) target(%arg10 : memref<80x128xf32, #tpu.memory_space<vmem>>) offsets(%arg9 : memref<80xi32, #tpu.memory_space<vmem>>) semaphore(%arg16 : memref<!tpu.dma_semaphore, #tpu.memory_space<semaphore_mem>>)
      %dma_start3A_82 = arith.constant 0 : i32
      %dma_start3A_83 = arith.constant 0 : i32
      %dma_start3A_84 = tpu.memref_slice %arg4[%dma_start3A_82, %dma_start3A_83] : memref<10000x128xf32, #tpu.memory_space<hbm>> -> memref<10000x128xf32, #tpu.memory_space<hbm>>
      tpu.enqueue_indirect_dma source(%dma_start3A_84 : memref<10000x128xf32, #tpu.memory_space<hbm>>) target(%arg11 : memref<80x128xf32, #tpu.memory_space<vmem>>) offsets(%arg8 : memref<80xi32, #tpu.memory_space<vmem>>) semaphore(%arg17 : memref<!tpu.dma_semaphore, #tpu.memory_space<semaphore_mem>>)
      %dma_start3A_85 = arith.constant 0 : i32
      %dma_start3A_86 = arith.constant 0 : i32
      %dma_start3A_87 = tpu.memref_slice %arg5[%dma_start3A_85, %dma_start3A_86] : memref<10000x128xf32, #tpu.memory_space<hbm>> -> memref<10000x128xf32, #tpu.memory_space<hbm>>
      tpu.enqueue_indirect_dma source(%dma_start3A_87 : memref<10000x128xf32, #tpu.memory_space<hbm>>) target(%arg12 : memref<80x128xf32, #tpu.memory_space<vmem>>) offsets(%arg8 : memref<80xi32, #tpu.memory_space<vmem>>) semaphore(%arg18 : memref<!tpu.dma_semaphore, #tpu.memory_space<semaphore_mem>>)
      %dma_wait3A = arith.constant 0 : i32
      %dma_wait3A_88 = arith.constant 0 : i32
      %dma_wait3A_89 = tpu.memref_slice %arg4[%dma_wait3A, %dma_wait3A_88] : memref<10000x128xf32, #tpu.memory_space<hbm>> -> memref<10000x128xf32, #tpu.memory_space<hbm>>
      tpu.wait_indirect_dma semaphore(%arg16 : memref<!tpu.dma_semaphore, #tpu.memory_space<semaphore_mem>>) src(%dma_wait3A_89 : memref<10000x128xf32, #tpu.memory_space<hbm>>) dst(%arg10 : memref<80x128xf32, #tpu.memory_space<vmem>>)
      %dma_wait3A_90 = arith.constant 0 : i32
      %dma_wait3A_91 = arith.constant 0 : i32
      %dma_wait3A_92 = tpu.memref_slice %arg4[%dma_wait3A_90, %dma_wait3A_91] : memref<10000x128xf32, #tpu.memory_space<hbm>> -> memref<10000x128xf32, #tpu.memory_space<hbm>>
      tpu.wait_indirect_dma semaphore(%arg17 : memref<!tpu.dma_semaphore, #tpu.memory_space<semaphore_mem>>) src(%dma_wait3A_92 : memref<10000x128xf32, #tpu.memory_space<hbm>>) dst(%arg11 : memref<80x128xf32, #tpu.memory_space<vmem>>)
      %dma_wait3A_93 = arith.constant 0 : i32
      %dma_wait3A_94 = arith.constant 0 : i32
      %dma_wait3A_95 = tpu.memref_slice %arg5[%dma_wait3A_93, %dma_wait3A_94] : memref<10000x128xf32, #tpu.memory_space<hbm>> -> memref<10000x128xf32, #tpu.memory_space<hbm>>
      tpu.wait_indirect_dma semaphore(%arg18 : memref<!tpu.dma_semaphore, #tpu.memory_space<semaphore_mem>>) src(%dma_wait3A_95 : memref<10000x128xf32, #tpu.memory_space<hbm>>) dst(%arg12 : memref<80x128xf32, #tpu.memory_space<vmem>>)
      %scan3A_96 = arith.constant 0 : i32
      %scan3A_97 = arith.constant 0 : i32
      %scan3A_98 = arith.constant 80 : i32
      %scan3A_99 = arith.addi %scan3A_97, %scan3A_98 : i32
      %scan3A_100 = arith.constant 1 : i32
      %scan3A_101 = scf.for %scan3A_104 = %scan3A_97 to %scan3A_99 step %scan3A_100 iter_args(%scan3A_105 = %scan3A_96) -> (i32)  : i32 {
        %get3A_106 = arith.index_cast %scan3A_104 : i32 to index
        %get3A_107 = arith.constant 0 : index
        %get3A_108 = tpu.vector_load %arg10[%get3A_106, %get3A_107] {strides = array<i32>} : memref<80x128xf32, #tpu.memory_space<vmem>>, vector<1x16xf32>,
        %get3A_109 = vector.shape_cast %get3A_108 : vector<1x16xf32> to vector<16xf32>
        %get3A_110 = arith.index_cast %scan3A_104 : i32 to index
        %get3A_111 = arith.constant 64 : index
        %get3A_112 = tpu.vector_load %arg11[%get3A_110, %get3A_111] {strides = array<i32>} : memref<80x128xf32, #tpu.memory_space<vmem>>, vector<1x16xf32>,
        %get3A_113 = vector.shape_cast %get3A_112 : vector<1x16xf32> to vector<16xf32>
        %add3A_114 = arith.addf %get3A_109, %get3A_113 : vector<16xf32>
        %add3A_115 = arith.addf %add3A_114, %get3A_17 : vector<16xf32>
        %max3A = arith.constant 0.000000e+00 : f32
        %max3A_116 = vector.broadcast %max3A : f32 to vector<16xf32>
        %max3A_117 = arith.maximumf %add3A_115, %max3A_116 : vector<16xf32>
        %mul3A_118 = arith.mulf %max3A_117, %get3A_37 : vector<16xf32>
        %add3A_119 = arith.addf %get3A_57, %mul3A_118 : vector<16xf32>
        %get3A_120 = arith.index_cast %scan3A_104 : i32 to index
        %get3A_121 = arith.constant 16 : index
        %get3A_122 = tpu.vector_load %arg10[%get3A_120, %get3A_121] {strides = array<i32>} : memref<80x128xf32, #tpu.memory_space<vmem>>, vector<1x16xf32>,
        %get3A_123 = vector.shape_cast %get3A_122 : vector<1x16xf32> to vector<16xf32>
        %get3A_124 = arith.index_cast %scan3A_104 : i32 to index
        %get3A_125 = arith.constant 80 : index
        %get3A_126 = tpu.vector_load %arg11[%get3A_124, %get3A_125] {strides = array<i32>} : memref<80x128xf32, #tpu.memory_space<vmem>>, vector<1x16xf32>,
        %get3A_127 = vector.shape_cast %get3A_126 : vector<1x16xf32> to vector<16xf32>
        %add3A_128 = arith.addf %get3A_123, %get3A_127 : vector<16xf32>
        %add3A_129 = arith.addf %add3A_128, %get3A_22 : vector<16xf32>
        %max3A_130 = arith.constant 0.000000e+00 : f32
        %max3A_131 = vector.broadcast %max3A_130 : f32 to vector<16xf32>
        %max3A_132 = arith.maximumf %add3A_129, %max3A_131 : vector<16xf32>
        %mul3A_133 = arith.mulf %max3A_132, %get3A_42 : vector<16xf32>
        %add3A_134 = arith.addf %add3A_119, %mul3A_133 : vector<16xf32>
        %get3A_135 = arith.index_cast %scan3A_104 : i32 to index
        %get3A_136 = arith.constant 32 : index
        %get3A_137 = tpu.vector_load %arg10[%get3A_135, %get3A_136] {strides = array<i32>} : memref<80x128xf32, #tpu.memory_space<vmem>>, vector<1x16xf32>,
        %get3A_138 = vector.shape_cast %get3A_137 : vector<1x16xf32> to vector<16xf32>
        %get3A_139 = arith.index_cast %scan3A_104 : i32 to index
        %get3A_140 = arith.constant 96 : index
        %get3A_141 = tpu.vector_load %arg11[%get3A_139, %get3A_140] {strides = array<i32>} : memref<80x128xf32, #tpu.memory_space<vmem>>, vector<1x16xf32>,
        %get3A_142 = vector.shape_cast %get3A_141 : vector<1x16xf32> to vector<16xf32>
        %add3A_143 = arith.addf %get3A_138, %get3A_142 : vector<16xf32>
        %add3A_144 = arith.addf %add3A_143, %get3A_27 : vector<16xf32>
        %max3A_145 = arith.constant 0.000000e+00 : f32
        %max3A_146 = vector.broadcast %max3A_145 : f32 to vector<16xf32>
        %max3A_147 = arith.maximumf %add3A_144, %max3A_146 : vector<16xf32>
        %mul3A_148 = arith.mulf %max3A_147, %get3A_47 : vector<16xf32>
        %add3A_149 = arith.addf %add3A_134, %mul3A_148 : vector<16xf32>
        %get3A_150 = arith.index_cast %scan3A_104 : i32 to index
        %get3A_151 = arith.constant 48 : index
        %get3A_152 = tpu.vector_load %arg10[%get3A_150, %get3A_151] {strides = array<i32>} : memref<80x128xf32, #tpu.memory_space<vmem>>, vector<1x16xf32>,
        %get3A_153 = vector.shape_cast %get3A_152 : vector<1x16xf32> to vector<16xf32>
        %get3A_154 = arith.index_cast %scan3A_104 : i32 to index
        %get3A_155 = arith.constant 112 : index
        %get3A_156 = tpu.vector_load %arg11[%get3A_154, %get3A_155] {strides = array<i32>} : memref<80x128xf32, #tpu.memory_space<vmem>>, vector<1x16xf32>,
        %get3A_157 = vector.shape_cast %get3A_156 : vector<1x16xf32> to vector<16xf32>
        %add3A_158 = arith.addf %get3A_153, %get3A_157 : vector<16xf32>
        %add3A_159 = arith.addf %add3A_158, %get3A_32 : vector<16xf32>
        %max3A_160 = arith.constant 0.000000e+00 : f32
        %max3A_161 = vector.broadcast %max3A_160 : f32 to vector<16xf32>
        %max3A_162 = arith.maximumf %add3A_159, %max3A_161 : vector<16xf32>
        %mul3A_163 = arith.mulf %max3A_162, %get3A_52 : vector<16xf32>
        %add3A_164 = arith.addf %add3A_149, %mul3A_163 : vector<16xf32>
        %iota3A = tpu.iota {dimensions = array<i32: 0>} : vector<16xi32>
        %add3A_165 = arith.constant 1 : i32
        %add3A_166 = vector.broadcast %add3A_165 : i32 to vector<16xi32>
        %add3A_167 = arith.addi %iota3A, %add3A_166 : vector<16xi32>
        %and3A = arith.constant 15 : i32
        %and3A_168 = vector.broadcast %and3A : i32 to vector<16xi32>
        %and3A_169 = arith.andi %add3A_167, %and3A_168 : vector<16xi32>
        %broadcast_in_dim3A = vector.shape_cast %and3A_169 : vector<16xi32> to vector<16x1xi32>
        %gather3A = vector.shape_cast %broadcast_in_dim3A : vector<16x1xi32> to vector<16xi32>
        %gather3A_170 = tpu.dynamic_gather %add3A_164[%gather3A] in [0] : vector<16xf32>, vector<16xi32> -> vector<16xf32>
        %add3A_171 = arith.addf %add3A_164, %gather3A_170 : vector<16xf32>
        %add3A_172 = arith.constant 2 : i32
        %add3A_173 = vector.broadcast %add3A_172 : i32 to vector<16xi32>
        %add3A_174 = arith.addi %iota3A, %add3A_173 : vector<16xi32>
        %and3A_175 = arith.constant 15 : i32
        %and3A_176 = vector.broadcast %and3A_175 : i32 to vector<16xi32>
        %and3A_177 = arith.andi %add3A_174, %and3A_176 : vector<16xi32>
        %broadcast_in_dim3A_178 = vector.shape_cast %and3A_177 : vector<16xi32> to vector<16x1xi32>
        %gather3A_179 = vector.shape_cast %broadcast_in_dim3A_178 : vector<16x1xi32> to vector<16xi32>
        %gather3A_180 = tpu.dynamic_gather %add3A_171[%gather3A_179] in [0] : vector<16xf32>, vector<16xi32> -> vector<16xf32>
        %add3A_181 = arith.addf %add3A_171, %gather3A_180 : vector<16xf32>
        %add3A_182 = arith.constant 4 : i32
        %add3A_183 = vector.broadcast %add3A_182 : i32 to vector<16xi32>
        %add3A_184 = arith.addi %iota3A, %add3A_183 : vector<16xi32>
        %and3A_185 = arith.constant 15 : i32
        %and3A_186 = vector.broadcast %and3A_185 : i32 to vector<16xi32>
        %and3A_187 = arith.andi %add3A_184, %and3A_186 : vector<16xi32>
        %broadcast_in_dim3A_188 = vector.shape_cast %and3A_187 : vector<16xi32> to vector<16x1xi32>
        %gather3A_189 = vector.shape_cast %broadcast_in_dim3A_188 : vector<16x1xi32> to vector<16xi32>
        %gather3A_190 = tpu.dynamic_gather %add3A_181[%gather3A_189] in [0] : vector<16xf32>, vector<16xi32> -> vector<16xf32>
        %add3A_191 = arith.addf %add3A_181, %gather3A_190 : vector<16xf32>
        %add3A_192 = arith.constant 8 : i32
        %add3A_193 = vector.broadcast %add3A_192 : i32 to vector<16xi32>
        %add3A_194 = arith.addi %iota3A, %add3A_193 : vector<16xi32>
        %and3A_195 = arith.constant 15 : i32
        %and3A_196 = vector.broadcast %and3A_195 : i32 to vector<16xi32>
        %and3A_197 = arith.andi %add3A_194, %and3A_196 : vector<16xi32>
        %broadcast_in_dim3A_198 = vector.shape_cast %and3A_197 : vector<16xi32> to vector<16x1xi32>
        %gather3A_199 = vector.shape_cast %broadcast_in_dim3A_198 : vector<16x1xi32> to vector<16xi32>
        %gather3A_200 = tpu.dynamic_gather %add3A_191[%gather3A_199] in [0] : vector<16xf32>, vector<16xi32> -> vector<16xf32>
        %add3A_201 = arith.addf %add3A_191, %gather3A_200 : vector<16xf32>
        %mul3A_202 = arith.mulf %add3A_201, %add3A_201 : vector<16xf32>
        %add3A_203 = arith.constant 1.000000e+00 : f32
        %add3A_204 = vector.broadcast %add3A_203 : f32 to vector<16xf32>
        %add3A_205 = arith.addf %add3A_204, %mul3A_202 : vector<16xf32>
        %bitcast_convert_type3A = tpu.bitcast %add3A_205 : vector<16xf32> -> vector<16xi32>
        %shift_right_arithmetic3A = arith.constant 1 : i32
        %shift_right_arithmetic3A_206 = vector.broadcast %shift_right_arithmetic3A : i32 to vector<16xi32>
        %shift_right_arithmetic3A_207 = arith.shrsi %bitcast_convert_type3A, %shift_right_arithmetic3A_206 : vector<16xi32>
        %sub3A = arith.constant 1597463007 : i32
        %sub3A_208 = vector.broadcast %sub3A : i32 to vector<16xi32>
        %sub3A_209 = arith.subi %sub3A_208, %shift_right_arithmetic3A_207 : vector<16xi32>
        %bitcast_convert_type3A_210 = tpu.bitcast %sub3A_209 : vector<16xi32> -> vector<16xf32>
        %mul3A_211 = arith.constant 5.000000e-01 : f32
        %mul3A_212 = vector.broadcast %mul3A_211 : f32 to vector<16xf32>
        %mul3A_213 = arith.mulf %mul3A_212, %add3A_205 : vector<16xf32>
        %mul3A_214 = arith.mulf %mul3A_213, %bitcast_convert_type3A_210 : vector<16xf32>
        %mul3A_215 = arith.mulf %mul3A_214, %bitcast_convert_type3A_210 : vector<16xf32>
        %sub3A_216 = arith.constant 1.500000e+00 : f32
        %sub3A_217 = vector.broadcast %sub3A_216 : f32 to vector<16xf32>
        %sub3A_218 = arith.subf %sub3A_217, %mul3A_215 : vector<16xf32>
        %mul3A_219 = arith.mulf %bitcast_convert_type3A_210, %sub3A_218 : vector<16xf32>
        %mul3A_220 = arith.constant 5.000000e-01 : f32
        %mul3A_221 = vector.broadcast %mul3A_220 : f32 to vector<16xf32>
        %mul3A_222 = arith.mulf %mul3A_221, %add3A_205 : vector<16xf32>
        %mul3A_223 = arith.mulf %mul3A_222, %mul3A_219 : vector<16xf32>
        %mul3A_224 = arith.mulf %mul3A_223, %mul3A_219 : vector<16xf32>
        %sub3A_225 = arith.constant 1.500000e+00 : f32
        %sub3A_226 = vector.broadcast %sub3A_225 : f32 to vector<16xf32>
        %sub3A_227 = arith.subf %sub3A_226, %mul3A_224 : vector<16xf32>
        %mul3A_228 = arith.mulf %mul3A_219, %sub3A_227 : vector<16xf32>
        %mul3A_229 = arith.constant 5.000000e-01 : f32
        %mul3A_230 = vector.broadcast %mul3A_229 : f32 to vector<16xf32>
        %mul3A_231 = arith.mulf %mul3A_230, %add3A_205 : vector<16xf32>
        %mul3A_232 = arith.mulf %mul3A_231, %mul3A_228 : vector<16xf32>
        %mul3A_233 = arith.mulf %mul3A_232, %mul3A_228 : vector<16xf32>
        %sub3A_234 = arith.constant 1.500000e+00 : f32
        %sub3A_235 = vector.broadcast %sub3A_234 : f32 to vector<16xf32>
        %sub3A_236 = arith.subf %sub3A_235, %mul3A_233 : vector<16xf32>
        %mul3A_237 = arith.mulf %mul3A_228, %sub3A_236 : vector<16xf32>
        %mul3A_238 = arith.mulf %add3A_201, %mul3A_237 : vector<16xf32>
        %eq3A = arith.constant 0.000000e+00 : f32
        %eq3A_239 = vector.broadcast %eq3A : f32 to vector<16xf32>
        %eq3A_240 = arith.cmpf oeq, %add3A_201, %eq3A_239 : vector<16xf32>
        %neg3A = arith.constant 0.000000e+00 : f32
        %neg3A_241 = vector.broadcast %neg3A : f32 to vector<16xf32>
        %neg3A_242 = arith.subf %neg3A_241, %mul3A_237 : vector<16xf32>
        %select_n3A = arith.select %eq3A_240, %mul3A_237, %neg3A_242 : vector<16xi1>, vector<16xf32>
        %get3A_243 = arith.index_cast %scan3A_104 : i32 to index
        %get3A_244 = arith.constant 0 : index
        %get3A_245 = tpu.vector_load %arg12[%get3A_243, %get3A_244] {strides = array<i32>} : memref<80x128xf32, #tpu.memory_space<vmem>>, vector<1x16xf32>,
        %get3A_246 = vector.shape_cast %get3A_245 : vector<1x16xf32> to vector<16xf32>
        %get3A_247 = arith.index_cast %scan3A_104 : i32 to index
        %get3A_248 = arith.constant 64 : index
        %get3A_249 = tpu.vector_load %arg12[%get3A_247, %get3A_248] {strides = array<i32>} : memref<80x128xf32, #tpu.memory_space<vmem>>, vector<1x16xf32>,
        %get3A_250 = vector.shape_cast %get3A_249 : vector<1x16xf32> to vector<16xf32>
        %mul3A_251 = arith.mulf %select_n3A, %get3A_246 : vector<16xf32>
        %mul3A_252 = arith.mulf %mul3A_238, %get3A_250 : vector<16xf32>
        %sub3A_253 = arith.subf %mul3A_251, %mul3A_252 : vector<16xf32>
        %swap3A = arith.index_cast %scan3A_104 : i32 to index
        %swap3A_254 = arith.constant 0 : index
        %swap3A_255 = tpu.vector_load %arg13[%swap3A, %swap3A_254] {strides = array<i32>} : memref<80x128xf32, #tpu.memory_space<vmem>>, vector<1x16xf32>,
        %swap3A_256 = vector.shape_cast %swap3A_255 : vector<1x16xf32> to vector<16xf32>
        %swap3A_257 = vector.shape_cast %sub3A_253 : vector<16xf32> to vector<1x16xf32>
        tpu.vector_store %arg13[%swap3A, %swap3A_254], %swap3A_257 {strides = array<i32>} : memref<80x128xf32, #tpu.memory_space<vmem>>, vector<1x16xf32>,
        %mul3A_258 = arith.mulf %mul3A_237, %get3A_250 : vector<16xf32>
        %mul3A_259 = arith.mulf %mul3A_238, %get3A_246 : vector<16xf32>
        %sub3A_260 = arith.subf %mul3A_258, %mul3A_259 : vector<16xf32>
        %swap3A_261 = arith.index_cast %scan3A_104 : i32 to index
        %swap3A_262 = arith.constant 64 : index
        %swap3A_263 = tpu.vector_load %arg13[%swap3A_261, %swap3A_262] {strides = array<i32>} : memref<80x128xf32, #tpu.memory_space<vmem>>, vector<1x16xf32>,
        %swap3A_264 = vector.shape_cast %swap3A_263 : vector<1x16xf32> to vector<16xf32>
        %swap3A_265 = vector.shape_cast %sub3A_260 : vector<16xf32> to vector<1x16xf32>
        tpu.vector_store %arg13[%swap3A_261, %swap3A_262], %swap3A_265 {strides = array<i32>} : memref<80x128xf32, #tpu.memory_space<vmem>>, vector<1x16xf32>,
        %get3A_266 = arith.index_cast %scan3A_104 : i32 to index
        %get3A_267 = arith.constant 16 : index
        %get3A_268 = tpu.vector_load %arg12[%get3A_266, %get3A_267] {strides = array<i32>} : memref<80x128xf32, #tpu.memory_space<vmem>>, vector<1x16xf32>,
        %get3A_269 = vector.shape_cast %get3A_268 : vector<1x16xf32> to vector<16xf32>
        %get3A_270 = arith.index_cast %scan3A_104 : i32 to index
        %get3A_271 = arith.constant 80 : index
        %get3A_272 = tpu.vector_load %arg12[%get3A_270, %get3A_271] {strides = array<i32>} : memref<80x128xf32, #tpu.memory_space<vmem>>, vector<1x16xf32>,
        %get3A_273 = vector.shape_cast %get3A_272 : vector<1x16xf32> to vector<16xf32>
        %mul3A_274 = arith.mulf %select_n3A, %get3A_269 : vector<16xf32>
        %mul3A_275 = arith.mulf %mul3A_238, %get3A_273 : vector<16xf32>
        %sub3A_276 = arith.subf %mul3A_274, %mul3A_275 : vector<16xf32>
        %swap3A_277 = arith.index_cast %scan3A_104 : i32 to index
        %swap3A_278 = arith.constant 16 : index
        %swap3A_279 = tpu.vector_load %arg13[%swap3A_277, %swap3A_278] {strides = array<i32>} : memref<80x128xf32, #tpu.memory_space<vmem>>, vector<1x16xf32>,
        %swap3A_280 = vector.shape_cast %swap3A_279 : vector<1x16xf32> to vector<16xf32>
        %swap3A_281 = vector.shape_cast %sub3A_276 : vector<16xf32> to vector<1x16xf32>
        tpu.vector_store %arg13[%swap3A_277, %swap3A_278], %swap3A_281 {strides = array<i32>} : memref<80x128xf32, #tpu.memory_space<vmem>>, vector<1x16xf32>,
        %mul3A_282 = arith.mulf %mul3A_237, %get3A_273 : vector<16xf32>
        %mul3A_283 = arith.mulf %mul3A_238, %get3A_269 : vector<16xf32>
        %sub3A_284 = arith.subf %mul3A_282, %mul3A_283 : vector<16xf32>
        %swap3A_285 = arith.index_cast %scan3A_104 : i32 to index
        %swap3A_286 = arith.constant 80 : index
        %swap3A_287 = tpu.vector_load %arg13[%swap3A_285, %swap3A_286] {strides = array<i32>} : memref<80x128xf32, #tpu.memory_space<vmem>>, vector<1x16xf32>,
        %swap3A_288 = vector.shape_cast %swap3A_287 : vector<1x16xf32> to vector<16xf32>
        %swap3A_289 = vector.shape_cast %sub3A_284 : vector<16xf32> to vector<1x16xf32>
        tpu.vector_store %arg13[%swap3A_285, %swap3A_286], %swap3A_289 {strides = array<i32>} : memref<80x128xf32, #tpu.memory_space<vmem>>, vector<1x16xf32>,
        %get3A_290 = arith.index_cast %scan3A_104 : i32 to index
        %get3A_291 = arith.constant 32 : index
        %get3A_292 = tpu.vector_load %arg12[%get3A_290, %get3A_291] {strides = array<i32>} : memref<80x128xf32, #tpu.memory_space<vmem>>, vector<1x16xf32>,
        %get3A_293 = vector.shape_cast %get3A_292 : vector<1x16xf32> to vector<16xf32>
        %get3A_294 = arith.index_cast %scan3A_104 : i32 to index
        %get3A_295 = arith.constant 96 : index
        %get3A_296 = tpu.vector_load %arg12[%get3A_294, %get3A_295] {strides = array<i32>} : memref<80x128xf32, #tpu.memory_space<vmem>>, vector<1x16xf32>,
        %get3A_297 = vector.shape_cast %get3A_296 : vector<1x16xf32> to vector<16xf32>
        %mul3A_298 = arith.mulf %select_n3A, %get3A_293 : vector<16xf32>
        %mul3A_299 = arith.mulf %mul3A_238, %get3A_297 : vector<16xf32>
        %sub3A_300 = arith.subf %mul3A_298, %mul3A_299 : vector<16xf32>
        %swap3A_301 = arith.index_cast %scan3A_104 : i32 to index
        %swap3A_302 = arith.constant 32 : index
        %swap3A_303 = tpu.vector_load %arg13[%swap3A_301, %swap3A_302] {strides = array<i32>} : memref<80x128xf32, #tpu.memory_space<vmem>>, vector<1x16xf32>,
        %swap3A_304 = vector.shape_cast %swap3A_303 : vector<1x16xf32> to vector<16xf32>
        %swap3A_305 = vector.shape_cast %sub3A_300 : vector<16xf32> to vector<1x16xf32>
        tpu.vector_store %arg13[%swap3A_301, %swap3A_302], %swap3A_305 {strides = array<i32>} : memref<80x128xf32, #tpu.memory_space<vmem>>, vector<1x16xf32>,
        %mul3A_306 = arith.mulf %mul3A_237, %get3A_297 : vector<16xf32>
        %mul3A_307 = arith.mulf %mul3A_238, %get3A_293 : vector<16xf32>
        %sub3A_308 = arith.subf %mul3A_306, %mul3A_307 : vector<16xf32>
        %swap3A_309 = arith.index_cast %scan3A_104 : i32 to index
        %swap3A_310 = arith.constant 96 : index
        %swap3A_311 = tpu.vector_load %arg13[%swap3A_309, %swap3A_310] {strides = array<i32>} : memref<80x128xf32, #tpu.memory_space<vmem>>, vector<1x16xf32>,
        %swap3A_312 = vector.shape_cast %swap3A_311 : vector<1x16xf32> to vector<16xf32>
        %swap3A_313 = vector.shape_cast %sub3A_308 : vector<16xf32> to vector<1x16xf32>
        tpu.vector_store %arg13[%swap3A_309, %swap3A_310], %swap3A_313 {strides = array<i32>} : memref<80x128xf32, #tpu.memory_space<vmem>>, vector<1x16xf32>,
        %get3A_314 = arith.index_cast %scan3A_104 : i32 to index
        %get3A_315 = arith.constant 48 : index
        %get3A_316 = tpu.vector_load %arg12[%get3A_314, %get3A_315] {strides = array<i32>} : memref<80x128xf32, #tpu.memory_space<vmem>>, vector<1x16xf32>,
        %get3A_317 = vector.shape_cast %get3A_316 : vector<1x16xf32> to vector<16xf32>
        %get3A_318 = arith.index_cast %scan3A_104 : i32 to index
        %get3A_319 = arith.constant 112 : index
        %get3A_320 = tpu.vector_load %arg12[%get3A_318, %get3A_319] {strides = array<i32>} : memref<80x128xf32, #tpu.memory_space<vmem>>, vector<1x16xf32>,
        %get3A_321 = vector.shape_cast %get3A_320 : vector<1x16xf32> to vector<16xf32>
        %mul3A_322 = arith.mulf %select_n3A, %get3A_317 : vector<16xf32>
        %mul3A_323 = arith.mulf %mul3A_238, %get3A_321 : vector<16xf32>
        %sub3A_324 = arith.subf %mul3A_322, %mul3A_323 : vector<16xf32>
        %swap3A_325 = arith.index_cast %scan3A_104 : i32 to index
        %swap3A_326 = arith.constant 48 : index
        %swap3A_327 = tpu.vector_load %arg13[%swap3A_325, %swap3A_326] {strides = array<i32>} : memref<80x128xf32, #tpu.memory_space<vmem>>, vector<1x16xf32>,
        %swap3A_328 = vector.shape_cast %swap3A_327 : vector<1x16xf32> to vector<16xf32>
        %swap3A_329 = vector.shape_cast %sub3A_324 : vector<16xf32> to vector<1x16xf32>
        tpu.vector_store %arg13[%swap3A_325, %swap3A_326], %swap3A_329 {strides = array<i32>} : memref<80x128xf32, #tpu.memory_space<vmem>>, vector<1x16xf32>,
        %mul3A_330 = arith.mulf %mul3A_237, %get3A_321 : vector<16xf32>
        %mul3A_331 = arith.mulf %mul3A_238, %get3A_317 : vector<16xf32>
        %sub3A_332 = arith.subf %mul3A_330, %mul3A_331 : vector<16xf32>
        %swap3A_333 = arith.index_cast %scan3A_104 : i32 to index
        %swap3A_334 = arith.constant 112 : index
        %swap3A_335 = tpu.vector_load %arg13[%swap3A_333, %swap3A_334] {strides = array<i32>} : memref<80x128xf32, #tpu.memory_space<vmem>>, vector<1x16xf32>,
        %swap3A_336 = vector.shape_cast %swap3A_335 : vector<1x16xf32> to vector<16xf32>
        %swap3A_337 = vector.shape_cast %sub3A_332 : vector<16xf32> to vector<1x16xf32>
        tpu.vector_store %arg13[%swap3A_333, %swap3A_334], %swap3A_337 {strides = array<i32>} : memref<80x128xf32, #tpu.memory_space<vmem>>, vector<1x16xf32>,
        %scan3A_338 = arith.constant 0 : i32
        scf.yield %scan3A_338 : i32
      }
      %scan3A_102 = arith.constant 80 : i32
      "tpu.region"() ({
        %run_scoped3A = tpu.sem_alloc : memref<!tpu.dma_semaphore, #tpu.memory_space<semaphore_mem>>
        %dma_start3A_104 = arith.constant 0 : i32
        %dma_start3A_105 = arith.constant 0 : i32
        %dma_start3A_106 = tpu.memref_slice %arg15[%dma_start3A_104, %dma_start3A_105] : memref<10240x128xf32, #tpu.memory_space<vmem_shared>> -> memref<10240x128xf32, #tpu.memory_space<vmem_shared>>
        tpu.enqueue_indirect_dma source(%arg13 : memref<80x128xf32, #tpu.memory_space<vmem>>) target(%dma_start3A_106 : memref<10240x128xf32, #tpu.memory_space<vmem_shared>>) offsets(%arg9 : memref<80xi32, #tpu.memory_space<vmem>>) semaphore(%run_scoped3A : memref<!tpu.dma_semaphore, #tpu.memory_space<semaphore_mem>>) {add = true}
        %dma_wait3A_107 = arith.constant 0 : i32
        %dma_wait3A_108 = arith.constant 0 : i32
        %dma_wait3A_109 = tpu.memref_slice %arg15[%dma_wait3A_107, %dma_wait3A_108] : memref<10240x128xf32, #tpu.memory_space<vmem_shared>> -> memref<10240x128xf32, #tpu.memory_space<vmem_shared>>
        tpu.wait_indirect_dma semaphore(%run_scoped3A : memref<!tpu.dma_semaphore, #tpu.memory_space<semaphore_mem>>) src(%arg13 : memref<80x128xf32, #tpu.memory_space<vmem>>) dst(%dma_wait3A_109 : memref<10240x128xf32, #tpu.memory_space<vmem_shared>>)
        tpu.yield
      }) : () -> ()
      %scan3A_103 = arith.constant 0 : i32
      scf.yield %scan3A_103 : i32
    }
    %scan3A_66 = arith.constant 125 : i32
    %barrier3A_67 = arith.constant 0 : index
    tpu.barrier barrier_id(%barrier3A_67)
    %scan3A_68 = arith.constant 0 : i32
    %scan3A_69 = arith.constant 0 : i32
    %scan3A_70 = arith.constant 8 : i32
    %scan3A_71 = arith.addi %scan3A_69, %scan3A_70 : i32
    %scan3A_72 = arith.constant 1 : i32
    %scan3A_73 = scf.for %scan3A_75 = %scan3A_69 to %scan3A_71 step %scan3A_72 iter_args(%scan3A_76 = %scan3A_68) -> (i32)  : i32 {
      %mul3A_77 = arith.constant 640 : i32
      %mul3A_78 = arith.muli %arg1, %mul3A_77 : i32
      %mul3A_79 = arith.constant 80 : i32
      %mul3A_80 = arith.muli %scan3A_75, %mul3A_79 : i32
      %add3A_81 = arith.addi %mul3A_78, %mul3A_80 : i32
      "tpu.region"() ({
        %run_scoped3A = tpu.sem_alloc : memref<!tpu.dma_semaphore, #tpu.memory_space<semaphore_mem>>
        %dma_start3A = arith.constant 0 : i32
        %dma_start3A_83 = tpu.memref_slice %arg7[%arg0, %add3A_81, %dma_start3A] : memref<2x10240x128xf32, #tpu.memory_space<hbm>> -> memref<1x80x128xf32, #tpu.memory_space<hbm>>
        %dma_start3A_84 = tpu.memref_squeeze %dma_start3A_83 : memref<1x80x128xf32, #tpu.memory_space<hbm>> -> memref<80x128xf32, #tpu.memory_space<hbm>>
        %dma_start3A_85 = arith.constant 0 : i32
        %dma_start3A_86 = tpu.memref_slice %arg15[%add3A_81, %dma_start3A_85] : memref<10240x128xf32, #tpu.memory_space<vmem_shared>> -> memref<80x128xf32, #tpu.memory_space<vmem_shared>>
        tpu.enqueue_dma source(%dma_start3A_86 : memref<80x128xf32, #tpu.memory_space<vmem_shared>>) target(%dma_start3A_84 : memref<80x128xf32, #tpu.memory_space<hbm>>) target_semaphore(%run_scoped3A : memref<!tpu.dma_semaphore, #tpu.memory_space<semaphore_mem>>)
        %dma_wait3A = arith.constant 0 : i32
        %dma_wait3A_87 = tpu.memref_slice %arg7[%arg0, %add3A_81, %dma_wait3A] : memref<2x10240x128xf32, #tpu.memory_space<hbm>> -> memref<1x80x128xf32, #tpu.memory_space<hbm>>
        %dma_wait3A_88 = tpu.memref_squeeze %dma_wait3A_87 : memref<1x80x128xf32, #tpu.memory_space<hbm>> -> memref<80x128xf32, #tpu.memory_space<hbm>>
        %dma_wait3A_89 = arith.constant 0 : i32
        %dma_wait3A_90 = tpu.memref_slice %arg15[%add3A_81, %dma_wait3A_89] : memref<10240x128xf32, #tpu.memory_space<vmem_shared>> -> memref<80x128xf32, #tpu.memory_space<vmem_shared>>
        tpu.wait_dma2 semaphore(%run_scoped3A : memref<!tpu.dma_semaphore, #tpu.memory_space<semaphore_mem>>) src(%dma_wait3A_90 : memref<80x128xf32, #tpu.memory_space<vmem_shared>>) dst(%dma_wait3A_88 : memref<80x128xf32, #tpu.memory_space<hbm>>)
        tpu.yield
      }) : () -> ()
      %scan3A_82 = arith.constant 0 : i32
      scf.yield %scan3A_82 : i32
    }
    %scan3A_74 = arith.constant 8 : i32
    return
  }
}

#map = affine_map<(d0, d1) -> (0)>
#map1 = affine_map<(d0, d1) -> (0, 0)>
module attributes {stable_mosaic.version = 14 : i64} {
  func.func @deg_k(%arg0: i32, %arg1: i32, %arg2: memref<320000xi32, #tpu.memory_space<hbm>>, %arg3: memref<32x81920xf32, #tpu.memory_space<hbm>>, %arg4: memref<80xi32, #tpu.memory_space<vmem>>, %arg5: memref<81920xf32, #tpu.memory_space<vmem>>) attributes {dimension_semantics = [#tpu.dimension_semantics<core_parallel>, #tpu.dimension_semantics<subcore_parallel>], iteration_bounds = array<i64: 2, 16>, scalar_prefetch = 0 : i64, scratch_operands = 2 : i64, tpu.core_type = #tpu.core_type<sc_vector_subcore>, window_params = [{transform_indices = #map}, {transform_indices = #map1}]} {
    %mul3A = arith.constant 16 : i32
    %mul3A_0 = arith.muli %arg0, %mul3A : i32
    %add3A = arith.addi %mul3A_0, %arg1 : i32
    %broadcast_in_dim3A = arith.constant 0.000000e+00 : f32
    %broadcast_in_dim3A_1 = vector.broadcast %broadcast_in_dim3A : f32 to vector<16xf32>
    %iota3A = tpu.iota {dimensions = array<i32: 0>} : vector<16xi32>
    %eq3A = arith.constant 0 : i32
    %eq3A_2 = vector.broadcast %eq3A : i32 to vector<16xi32>
    %eq3A_3 = arith.cmpi eq, %iota3A, %eq3A_2 : vector<16xi32>
    %broadcast_in_dim3A_4 = arith.constant 1.000000e+00 : f32
    %broadcast_in_dim3A_5 = vector.broadcast %broadcast_in_dim3A_4 : f32 to vector<16xf32>
    %select_n3A = arith.select %eq3A_3, %broadcast_in_dim3A_5, %broadcast_in_dim3A_1 : vector<16xi1>, vector<16xf32>
    %scan3A = arith.constant 0 : i32
    %scan3A_6 = arith.constant 0 : i32
    %scan3A_7 = arith.constant 5120 : i32
    %scan3A_8 = arith.addi %scan3A_6, %scan3A_7 : i32
    %scan3A_9 = arith.constant 1 : i32
    %scan3A_10 = scf.for %scan3A_21 = %scan3A_6 to %scan3A_8 step %scan3A_9 iter_args(%scan3A_22 = %scan3A) -> (i32)  : i32 {
      %mul3A_23 = arith.constant 16 : i32
      %mul3A_24 = arith.muli %scan3A_21, %mul3A_23 : i32
      %swap3A = arith.index_cast %mul3A_24 : i32 to index
      %swap3A_25 = tpu.vector_load %arg5[%swap3A] {strides = array<i32>} : memref<81920xf32, #tpu.memory_space<vmem>>, vector<16xf32>,
      %swap3A_26 = vector.shape_cast %swap3A_25 : vector<16xf32> to vector<16xf32>
      %swap3A_27 = vector.shape_cast %broadcast_in_dim3A_1 : vector<16xf32> to vector<16xf32>
      tpu.vector_store %arg5[%swap3A], %swap3A_27 {strides = array<i32>} : memref<81920xf32, #tpu.memory_space<vmem>>, vector<16xf32>,
      %scan3A_28 = arith.constant 0 : i32
      scf.yield %scan3A_28 : i32
    }
    %scan3A_11 = arith.constant 5120 : i32
    %mul3A_12 = arith.constant 10000 : i32
    %mul3A_13 = arith.muli %add3A, %mul3A_12 : i32
    %scan3A_14 = arith.constant 0 : i32
    %scan3A_15 = arith.constant 0 : i32
    %scan3A_16 = arith.constant 125 : i32
    %scan3A_17 = arith.addi %scan3A_15, %scan3A_16 : i32
    %scan3A_18 = arith.constant 1 : i32
    %scan3A_19 = scf.for %scan3A_21 = %scan3A_15 to %scan3A_17 step %scan3A_18 iter_args(%scan3A_22 = %scan3A_14) -> (i32)  : i32 {
      %mul3A_23 = arith.constant 80 : i32
      %mul3A_24 = arith.muli %scan3A_21, %mul3A_23 : i32
      %add3A_25 = arith.addi %mul3A_13, %mul3A_24 : i32
      "tpu.region"() ({
        %run_scoped3A = tpu.sem_alloc : memref<!tpu.dma_semaphore, #tpu.memory_space<semaphore_mem>>
        %dma_start3A = tpu.memref_slice %arg2[%add3A_25] : memref<320000xi32, #tpu.memory_space<hbm>> -> memref<80xi32, #tpu.memory_space<hbm>>
        %dma_start3A_34 = tpu.memref_slice %arg2[%add3A_25] : memref<320000xi32, #tpu.memory_space<hbm>> -> memref<80xi32, #tpu.memory_space<hbm>>
        tpu.enqueue_dma source(%dma_start3A_34 : memref<80xi32, #tpu.memory_space<hbm>>) target(%arg4 : memref<80xi32, #tpu.memory_space<vmem>>) target_semaphore(%run_scoped3A : memref<!tpu.dma_semaphore, #tpu.memory_space<semaphore_mem>>)
        %dma_wait3A = tpu.memref_slice %arg2[%add3A_25] : memref<320000xi32, #tpu.memory_space<hbm>> -> memref<80xi32, #tpu.memory_space<hbm>>
        %dma_wait3A_35 = tpu.memref_slice %arg2[%add3A_25] : memref<320000xi32, #tpu.memory_space<hbm>> -> memref<80xi32, #tpu.memory_space<hbm>>
        tpu.wait_dma2 semaphore(%run_scoped3A : memref<!tpu.dma_semaphore, #tpu.memory_space<semaphore_mem>>) src(%dma_wait3A_35 : memref<80xi32, #tpu.memory_space<hbm>>) dst(%arg4 : memref<80xi32, #tpu.memory_space<vmem>>)
        tpu.yield
      }) : () -> ()
      %scan3A_26 = arith.constant 0 : i32
      %scan3A_27 = arith.constant 0 : i32
      %scan3A_28 = arith.constant 5 : i32
      %scan3A_29 = arith.addi %scan3A_27, %scan3A_28 : i32
      %scan3A_30 = arith.constant 1 : i32
      %scan3A_31 = scf.for %scan3A_34 = %scan3A_27 to %scan3A_29 step %scan3A_30 iter_args(%scan3A_35 = %scan3A_26) -> (i32)  : i32 {
        %mul3A_36 = arith.constant 16 : i32
        %mul3A_37 = arith.muli %scan3A_34, %mul3A_36 : i32
        %get3A = arith.index_cast %mul3A_37 : i32 to index
        %get3A_38 = tpu.vector_load %arg4[%get3A] {strides = array<i32>} : memref<80xi32, #tpu.memory_space<vmem>>, vector<16xi32>,
        %get3A_39 = vector.shape_cast %get3A_38 : vector<16xi32> to vector<16xi32>
        %mul3A_40 = arith.constant 8 : i32
        %mul3A_41 = vector.broadcast %mul3A_40 : i32 to vector<16xi32>
        %mul3A_42 = arith.muli %get3A_39, %mul3A_41 : vector<16xi32>
        %slice3A = vector.extract_strided_slice %mul3A_42 {offsets = [0], sizes = [1], strides = [1]} : vector<16xi32> to vector<1xi32>
        %squeeze3A = vector.extract %slice3A[0] : i32 from vector<1xi32>
        %get3A_43 = arith.index_cast %squeeze3A : i32 to index
        %get3A_44 = tpu.vector_load %arg5[%get3A_43] {strides = array<i32>} : memref<81920xf32, #tpu.memory_space<vmem>>, vector<16xf32>,
        %get3A_45 = vector.shape_cast %get3A_44 : vector<16xf32> to vector<16xf32>
        %add3A_46 = arith.addf %get3A_45, %select_n3A : vector<16xf32>
        %swap3A = arith.index_cast %squeeze3A : i32 to index
        %swap3A_47 = tpu.vector_load %arg5[%swap3A] {strides = array<i32>} : memref<81920xf32, #tpu.memory_space<vmem>>, vector<16xf32>,
        %swap3A_48 = vector.shape_cast %swap3A_47 : vector<16xf32> to vector<16xf32>
        %swap3A_49 = vector.shape_cast %add3A_46 : vector<16xf32> to vector<16xf32>
        tpu.vector_store %arg5[%swap3A], %swap3A_49 {strides = array<i32>} : memref<81920xf32, #tpu.memory_space<vmem>>, vector<16xf32>,
        %slice3A_50 = vector.extract_strided_slice %mul3A_42 {offsets = [1], sizes = [1], strides = [1]} : vector<16xi32> to vector<1xi32>
        %squeeze3A_51 = vector.extract %slice3A_50[0] : i32 from vector<1xi32>
        %get3A_52 = arith.index_cast %squeeze3A_51 : i32 to index
        %get3A_53 = tpu.vector_load %arg5[%get3A_52] {strides = array<i32>} : memref<81920xf32, #tpu.memory_space<vmem>>, vector<16xf32>,
        %get3A_54 = vector.shape_cast %get3A_53 : vector<16xf32> to vector<16xf32>
        %add3A_55 = arith.addf %get3A_54, %select_n3A : vector<16xf32>
        %swap3A_56 = arith.index_cast %squeeze3A_51 : i32 to index
        %swap3A_57 = tpu.vector_load %arg5[%swap3A_56] {strides = array<i32>} : memref<81920xf32, #tpu.memory_space<vmem>>, vector<16xf32>,
        %swap3A_58 = vector.shape_cast %swap3A_57 : vector<16xf32> to vector<16xf32>
        %swap3A_59 = vector.shape_cast %add3A_55 : vector<16xf32> to vector<16xf32>
        tpu.vector_store %arg5[%swap3A_56], %swap3A_59 {strides = array<i32>} : memref<81920xf32, #tpu.memory_space<vmem>>, vector<16xf32>,
        %slice3A_60 = vector.extract_strided_slice %mul3A_42 {offsets = [2], sizes = [1], strides = [1]} : vector<16xi32> to vector<1xi32>
        %squeeze3A_61 = vector.extract %slice3A_60[0] : i32 from vector<1xi32>
        %get3A_62 = arith.index_cast %squeeze3A_61 : i32 to index
        %get3A_63 = tpu.vector_load %arg5[%get3A_62] {strides = array<i32>} : memref<81920xf32, #tpu.memory_space<vmem>>, vector<16xf32>,
        %get3A_64 = vector.shape_cast %get3A_63 : vector<16xf32> to vector<16xf32>
        %add3A_65 = arith.addf %get3A_64, %select_n3A : vector<16xf32>
        %swap3A_66 = arith.index_cast %squeeze3A_61 : i32 to index
        %swap3A_67 = tpu.vector_load %arg5[%swap3A_66] {strides = array<i32>} : memref<81920xf32, #tpu.memory_space<vmem>>, vector<16xf32>,
        %swap3A_68 = vector.shape_cast %swap3A_67 : vector<16xf32> to vector<16xf32>
        %swap3A_69 = vector.shape_cast %add3A_65 : vector<16xf32> to vector<16xf32>
        tpu.vector_store %arg5[%swap3A_66], %swap3A_69 {strides = array<i32>} : memref<81920xf32, #tpu.memory_space<vmem>>, vector<16xf32>,
        %slice3A_70 = vector.extract_strided_slice %mul3A_42 {offsets = [3], sizes = [1], strides = [1]} : vector<16xi32> to vector<1xi32>
        %squeeze3A_71 = vector.extract %slice3A_70[0] : i32 from vector<1xi32>
        %get3A_72 = arith.index_cast %squeeze3A_71 : i32 to index
        %get3A_73 = tpu.vector_load %arg5[%get3A_72] {strides = array<i32>} : memref<81920xf32, #tpu.memory_space<vmem>>, vector<16xf32>,
        %get3A_74 = vector.shape_cast %get3A_73 : vector<16xf32> to vector<16xf32>
        %add3A_75 = arith.addf %get3A_74, %select_n3A : vector<16xf32>
        %swap3A_76 = arith.index_cast %squeeze3A_71 : i32 to index
        %swap3A_77 = tpu.vector_load %arg5[%swap3A_76] {strides = array<i32>} : memref<81920xf32, #tpu.memory_space<vmem>>, vector<16xf32>,
        %swap3A_78 = vector.shape_cast %swap3A_77 : vector<16xf32> to vector<16xf32>
        %swap3A_79 = vector.shape_cast %add3A_75 : vector<16xf32> to vector<16xf32>
        tpu.vector_store %arg5[%swap3A_76], %swap3A_79 {strides = array<i32>} : memref<81920xf32, #tpu.memory_space<vmem>>, vector<16xf32>,
        %slice3A_80 = vector.extract_strided_slice %mul3A_42 {offsets = [4], sizes = [1], strides = [1]} : vector<16xi32> to vector<1xi32>
        %squeeze3A_81 = vector.extract %slice3A_80[0] : i32 from vector<1xi32>
        %get3A_82 = arith.index_cast %squeeze3A_81 : i32 to index
        %get3A_83 = tpu.vector_load %arg5[%get3A_82] {strides = array<i32>} : memref<81920xf32, #tpu.memory_space<vmem>>, vector<16xf32>,
        %get3A_84 = vector.shape_cast %get3A_83 : vector<16xf32> to vector<16xf32>
        %add3A_85 = arith.addf %get3A_84, %select_n3A : vector<16xf32>
        %swap3A_86 = arith.index_cast %squeeze3A_81 : i32 to index
        %swap3A_87 = tpu.vector_load %arg5[%swap3A_86] {strides = array<i32>} : memref<81920xf32, #tpu.memory_space<vmem>>, vector<16xf32>,
        %swap3A_88 = vector.shape_cast %swap3A_87 : vector<16xf32> to vector<16xf32>
        %swap3A_89 = vector.shape_cast %add3A_85 : vector<16xf32> to vector<16xf32>
        tpu.vector_store %arg5[%swap3A_86], %swap3A_89 {strides = array<i32>} : memref<81920xf32, #tpu.memory_space<vmem>>, vector<16xf32>,
        %slice3A_90 = vector.extract_strided_slice %mul3A_42 {offsets = [5], sizes = [1], strides = [1]} : vector<16xi32> to vector<1xi32>
        %squeeze3A_91 = vector.extract %slice3A_90[0] : i32 from vector<1xi32>
        %get3A_92 = arith.index_cast %squeeze3A_91 : i32 to index
        %get3A_93 = tpu.vector_load %arg5[%get3A_92] {strides = array<i32>} : memref<81920xf32, #tpu.memory_space<vmem>>, vector<16xf32>,
        %get3A_94 = vector.shape_cast %get3A_93 : vector<16xf32> to vector<16xf32>
        %add3A_95 = arith.addf %get3A_94, %select_n3A : vector<16xf32>
        %swap3A_96 = arith.index_cast %squeeze3A_91 : i32 to index
        %swap3A_97 = tpu.vector_load %arg5[%swap3A_96] {strides = array<i32>} : memref<81920xf32, #tpu.memory_space<vmem>>, vector<16xf32>,
        %swap3A_98 = vector.shape_cast %swap3A_97 : vector<16xf32> to vector<16xf32>
        %swap3A_99 = vector.shape_cast %add3A_95 : vector<16xf32> to vector<16xf32>
        tpu.vector_store %arg5[%swap3A_96], %swap3A_99 {strides = array<i32>} : memref<81920xf32, #tpu.memory_space<vmem>>, vector<16xf32>,
        %slice3A_100 = vector.extract_strided_slice %mul3A_42 {offsets = [6], sizes = [1], strides = [1]} : vector<16xi32> to vector<1xi32>
        %squeeze3A_101 = vector.extract %slice3A_100[0] : i32 from vector<1xi32>
        %get3A_102 = arith.index_cast %squeeze3A_101 : i32 to index
        %get3A_103 = tpu.vector_load %arg5[%get3A_102] {strides = array<i32>} : memref<81920xf32, #tpu.memory_space<vmem>>, vector<16xf32>,
        %get3A_104 = vector.shape_cast %get3A_103 : vector<16xf32> to vector<16xf32>
        %add3A_105 = arith.addf %get3A_104, %select_n3A : vector<16xf32>
        %swap3A_106 = arith.index_cast %squeeze3A_101 : i32 to index
        %swap3A_107 = tpu.vector_load %arg5[%swap3A_106] {strides = array<i32>} : memref<81920xf32, #tpu.memory_space<vmem>>, vector<16xf32>,
        %swap3A_108 = vector.shape_cast %swap3A_107 : vector<16xf32> to vector<16xf32>
        %swap3A_109 = vector.shape_cast %add3A_105 : vector<16xf32> to vector<16xf32>
        tpu.vector_store %arg5[%swap3A_106], %swap3A_109 {strides = array<i32>} : memref<81920xf32, #tpu.memory_space<vmem>>, vector<16xf32>,
        %slice3A_110 = vector.extract_strided_slice %mul3A_42 {offsets = [7], sizes = [1], strides = [1]} : vector<16xi32> to vector<1xi32>
        %squeeze3A_111 = vector.extract %slice3A_110[0] : i32 from vector<1xi32>
        %get3A_112 = arith.index_cast %squeeze3A_111 : i32 to index
        %get3A_113 = tpu.vector_load %arg5[%get3A_112] {strides = array<i32>} : memref<81920xf32, #tpu.memory_space<vmem>>, vector<16xf32>,
        %get3A_114 = vector.shape_cast %get3A_113 : vector<16xf32> to vector<16xf32>
        %add3A_115 = arith.addf %get3A_114, %select_n3A : vector<16xf32>
        %swap3A_116 = arith.index_cast %squeeze3A_111 : i32 to index
        %swap3A_117 = tpu.vector_load %arg5[%swap3A_116] {strides = array<i32>} : memref<81920xf32, #tpu.memory_space<vmem>>, vector<16xf32>,
        %swap3A_118 = vector.shape_cast %swap3A_117 : vector<16xf32> to vector<16xf32>
        %swap3A_119 = vector.shape_cast %add3A_115 : vector<16xf32> to vector<16xf32>
        tpu.vector_store %arg5[%swap3A_116], %swap3A_119 {strides = array<i32>} : memref<81920xf32, #tpu.memory_space<vmem>>, vector<16xf32>,
        %slice3A_120 = vector.extract_strided_slice %mul3A_42 {offsets = [8], sizes = [1], strides = [1]} : vector<16xi32> to vector<1xi32>
        %squeeze3A_121 = vector.extract %slice3A_120[0] : i32 from vector<1xi32>
        %get3A_122 = arith.index_cast %squeeze3A_121 : i32 to index
        %get3A_123 = tpu.vector_load %arg5[%get3A_122] {strides = array<i32>} : memref<81920xf32, #tpu.memory_space<vmem>>, vector<16xf32>,
        %get3A_124 = vector.shape_cast %get3A_123 : vector<16xf32> to vector<16xf32>
        %add3A_125 = arith.addf %get3A_124, %select_n3A : vector<16xf32>
        %swap3A_126 = arith.index_cast %squeeze3A_121 : i32 to index
        %swap3A_127 = tpu.vector_load %arg5[%swap3A_126] {strides = array<i32>} : memref<81920xf32, #tpu.memory_space<vmem>>, vector<16xf32>,
        %swap3A_128 = vector.shape_cast %swap3A_127 : vector<16xf32> to vector<16xf32>
        %swap3A_129 = vector.shape_cast %add3A_125 : vector<16xf32> to vector<16xf32>
        tpu.vector_store %arg5[%swap3A_126], %swap3A_129 {strides = array<i32>} : memref<81920xf32, #tpu.memory_space<vmem>>, vector<16xf32>,
        %slice3A_130 = vector.extract_strided_slice %mul3A_42 {offsets = [9], sizes = [1], strides = [1]} : vector<16xi32> to vector<1xi32>
        %squeeze3A_131 = vector.extract %slice3A_130[0] : i32 from vector<1xi32>
        %get3A_132 = arith.index_cast %squeeze3A_131 : i32 to index
        %get3A_133 = tpu.vector_load %arg5[%get3A_132] {strides = array<i32>} : memref<81920xf32, #tpu.memory_space<vmem>>, vector<16xf32>,
        %get3A_134 = vector.shape_cast %get3A_133 : vector<16xf32> to vector<16xf32>
        %add3A_135 = arith.addf %get3A_134, %select_n3A : vector<16xf32>
        %swap3A_136 = arith.index_cast %squeeze3A_131 : i32 to index
        %swap3A_137 = tpu.vector_load %arg5[%swap3A_136] {strides = array<i32>} : memref<81920xf32, #tpu.memory_space<vmem>>, vector<16xf32>,
        %swap3A_138 = vector.shape_cast %swap3A_137 : vector<16xf32> to vector<16xf32>
        %swap3A_139 = vector.shape_cast %add3A_135 : vector<16xf32> to vector<16xf32>
        tpu.vector_store %arg5[%swap3A_136], %swap3A_139 {strides = array<i32>} : memref<81920xf32, #tpu.memory_space<vmem>>, vector<16xf32>,
        %slice3A_140 = vector.extract_strided_slice %mul3A_42 {offsets = [10], sizes = [1], strides = [1]} : vector<16xi32> to vector<1xi32>
        %squeeze3A_141 = vector.extract %slice3A_140[0] : i32 from vector<1xi32>
        %get3A_142 = arith.index_cast %squeeze3A_141 : i32 to index
        %get3A_143 = tpu.vector_load %arg5[%get3A_142] {strides = array<i32>} : memref<81920xf32, #tpu.memory_space<vmem>>, vector<16xf32>,
        %get3A_144 = vector.shape_cast %get3A_143 : vector<16xf32> to vector<16xf32>
        %add3A_145 = arith.addf %get3A_144, %select_n3A : vector<16xf32>
        %swap3A_146 = arith.index_cast %squeeze3A_141 : i32 to index
        %swap3A_147 = tpu.vector_load %arg5[%swap3A_146] {strides = array<i32>} : memref<81920xf32, #tpu.memory_space<vmem>>, vector<16xf32>,
        %swap3A_148 = vector.shape_cast %swap3A_147 : vector<16xf32> to vector<16xf32>
        %swap3A_149 = vector.shape_cast %add3A_145 : vector<16xf32> to vector<16xf32>
        tpu.vector_store %arg5[%swap3A_146], %swap3A_149 {strides = array<i32>} : memref<81920xf32, #tpu.memory_space<vmem>>, vector<16xf32>,
        %slice3A_150 = vector.extract_strided_slice %mul3A_42 {offsets = [11], sizes = [1], strides = [1]} : vector<16xi32> to vector<1xi32>
        %squeeze3A_151 = vector.extract %slice3A_150[0] : i32 from vector<1xi32>
        %get3A_152 = arith.index_cast %squeeze3A_151 : i32 to index
        %get3A_153 = tpu.vector_load %arg5[%get3A_152] {strides = array<i32>} : memref<81920xf32, #tpu.memory_space<vmem>>, vector<16xf32>,
        %get3A_154 = vector.shape_cast %get3A_153 : vector<16xf32> to vector<16xf32>
        %add3A_155 = arith.addf %get3A_154, %select_n3A : vector<16xf32>
        %swap3A_156 = arith.index_cast %squeeze3A_151 : i32 to index
        %swap3A_157 = tpu.vector_load %arg5[%swap3A_156] {strides = array<i32>} : memref<81920xf32, #tpu.memory_space<vmem>>, vector<16xf32>,
        %swap3A_158 = vector.shape_cast %swap3A_157 : vector<16xf32> to vector<16xf32>
        %swap3A_159 = vector.shape_cast %add3A_155 : vector<16xf32> to vector<16xf32>
        tpu.vector_store %arg5[%swap3A_156], %swap3A_159 {strides = array<i32>} : memref<81920xf32, #tpu.memory_space<vmem>>, vector<16xf32>,
        %slice3A_160 = vector.extract_strided_slice %mul3A_42 {offsets = [12], sizes = [1], strides = [1]} : vector<16xi32> to vector<1xi32>
        %squeeze3A_161 = vector.extract %slice3A_160[0] : i32 from vector<1xi32>
        %get3A_162 = arith.index_cast %squeeze3A_161 : i32 to index
        %get3A_163 = tpu.vector_load %arg5[%get3A_162] {strides = array<i32>} : memref<81920xf32, #tpu.memory_space<vmem>>, vector<16xf32>,
        %get3A_164 = vector.shape_cast %get3A_163 : vector<16xf32> to vector<16xf32>
        %add3A_165 = arith.addf %get3A_164, %select_n3A : vector<16xf32>
        %swap3A_166 = arith.index_cast %squeeze3A_161 : i32 to index
        %swap3A_167 = tpu.vector_load %arg5[%swap3A_166] {strides = array<i32>} : memref<81920xf32, #tpu.memory_space<vmem>>, vector<16xf32>,
        %swap3A_168 = vector.shape_cast %swap3A_167 : vector<16xf32> to vector<16xf32>
        %swap3A_169 = vector.shape_cast %add3A_165 : vector<16xf32> to vector<16xf32>
        tpu.vector_store %arg5[%swap3A_166], %swap3A_169 {strides = array<i32>} : memref<81920xf32, #tpu.memory_space<vmem>>, vector<16xf32>,
        %slice3A_170 = vector.extract_strided_slice %mul3A_42 {offsets = [13], sizes = [1], strides = [1]} : vector<16xi32> to vector<1xi32>
        %squeeze3A_171 = vector.extract %slice3A_170[0] : i32 from vector<1xi32>
        %get3A_172 = arith.index_cast %squeeze3A_171 : i32 to index
        %get3A_173 = tpu.vector_load %arg5[%get3A_172] {strides = array<i32>} : memref<81920xf32, #tpu.memory_space<vmem>>, vector<16xf32>,
        %get3A_174 = vector.shape_cast %get3A_173 : vector<16xf32> to vector<16xf32>
        %add3A_175 = arith.addf %get3A_174, %select_n3A : vector<16xf32>
        %swap3A_176 = arith.index_cast %squeeze3A_171 : i32 to index
        %swap3A_177 = tpu.vector_load %arg5[%swap3A_176] {strides = array<i32>} : memref<81920xf32, #tpu.memory_space<vmem>>, vector<16xf32>,
        %swap3A_178 = vector.shape_cast %swap3A_177 : vector<16xf32> to vector<16xf32>
        %swap3A_179 = vector.shape_cast %add3A_175 : vector<16xf32> to vector<16xf32>
        tpu.vector_store %arg5[%swap3A_176], %swap3A_179 {strides = array<i32>} : memref<81920xf32, #tpu.memory_space<vmem>>, vector<16xf32>,
        %slice3A_180 = vector.extract_strided_slice %mul3A_42 {offsets = [14], sizes = [1], strides = [1]} : vector<16xi32> to vector<1xi32>
        %squeeze3A_181 = vector.extract %slice3A_180[0] : i32 from vector<1xi32>
        %get3A_182 = arith.index_cast %squeeze3A_181 : i32 to index
        %get3A_183 = tpu.vector_load %arg5[%get3A_182] {strides = array<i32>} : memref<81920xf32, #tpu.memory_space<vmem>>, vector<16xf32>,
        %get3A_184 = vector.shape_cast %get3A_183 : vector<16xf32> to vector<16xf32>
        %add3A_185 = arith.addf %get3A_184, %select_n3A : vector<16xf32>
        %swap3A_186 = arith.index_cast %squeeze3A_181 : i32 to index
        %swap3A_187 = tpu.vector_load %arg5[%swap3A_186] {strides = array<i32>} : memref<81920xf32, #tpu.memory_space<vmem>>, vector<16xf32>,
        %swap3A_188 = vector.shape_cast %swap3A_187 : vector<16xf32> to vector<16xf32>
        %swap3A_189 = vector.shape_cast %add3A_185 : vector<16xf32> to vector<16xf32>
        tpu.vector_store %arg5[%swap3A_186], %swap3A_189 {strides = array<i32>} : memref<81920xf32, #tpu.memory_space<vmem>>, vector<16xf32>,
        %slice3A_190 = vector.extract_strided_slice %mul3A_42 {offsets = [15], sizes = [1], strides = [1]} : vector<16xi32> to vector<1xi32>
        %squeeze3A_191 = vector.extract %slice3A_190[0] : i32 from vector<1xi32>
        %get3A_192 = arith.index_cast %squeeze3A_191 : i32 to index
        %get3A_193 = tpu.vector_load %arg5[%get3A_192] {strides = array<i32>} : memref<81920xf32, #tpu.memory_space<vmem>>, vector<16xf32>,
        %get3A_194 = vector.shape_cast %get3A_193 : vector<16xf32> to vector<16xf32>
        %add3A_195 = arith.addf %get3A_194, %select_n3A : vector<16xf32>
        %swap3A_196 = arith.index_cast %squeeze3A_191 : i32 to index
        %swap3A_197 = tpu.vector_load %arg5[%swap3A_196] {strides = array<i32>} : memref<81920xf32, #tpu.memory_space<vmem>>, vector<16xf32>,
        %swap3A_198 = vector.shape_cast %swap3A_197 : vector<16xf32> to vector<16xf32>
        %swap3A_199 = vector.shape_cast %add3A_195 : vector<16xf32> to vector<16xf32>
        tpu.vector_store %arg5[%swap3A_196], %swap3A_199 {strides = array<i32>} : memref<81920xf32, #tpu.memory_space<vmem>>, vector<16xf32>,
        %scan3A_200 = arith.constant 0 : i32
        scf.yield %scan3A_200 : i32
      }
      %scan3A_32 = arith.constant 5 : i32
      %scan3A_33 = arith.constant 0 : i32
      scf.yield %scan3A_33 : i32
    }
    %scan3A_20 = arith.constant 125 : i32
    "tpu.region"() ({
      %run_scoped3A = tpu.sem_alloc : memref<!tpu.dma_semaphore, #tpu.memory_space<semaphore_mem>>
      %dma_start3A = arith.constant 0 : i32
      %dma_start3A_21 = tpu.memref_slice %arg3[%add3A, %dma_start3A] : memref<32x81920xf32, #tpu.memory_space<hbm>> -> memref<1x81920xf32, #tpu.memory_space<hbm>>
      %dma_start3A_22 = tpu.memref_squeeze %dma_start3A_21 : memref<1x81920xf32, #tpu.memory_space<hbm>> -> memref<81920xf32, #tpu.memory_space<hbm>>
      %dma_start3A_23 = arith.constant 0 : i32
      %dma_start3A_24 = tpu.memref_slice %arg3[%add3A, %dma_start3A_23] : memref<32x81920xf32, #tpu.memory_space<hbm>> -> memref<1x81920xf32, #tpu.memory_space<hbm>>
      %dma_start3A_25 = tpu.memref_squeeze %dma_start3A_24 : memref<1x81920xf32, #tpu.memory_space<hbm>> -> memref<81920xf32, #tpu.memory_space<hbm>>
      tpu.enqueue_dma source(%arg5 : memref<81920xf32, #tpu.memory_space<vmem>>) target(%dma_start3A_25 : memref<81920xf32, #tpu.memory_space<hbm>>) target_semaphore(%run_scoped3A : memref<!tpu.dma_semaphore, #tpu.memory_space<semaphore_mem>>)
      %dma_wait3A = arith.constant 0 : i32
      %dma_wait3A_26 = tpu.memref_slice %arg3[%add3A, %dma_wait3A] : memref<32x81920xf32, #tpu.memory_space<hbm>> -> memref<1x81920xf32, #tpu.memory_space<hbm>>
      %dma_wait3A_27 = tpu.memref_squeeze %dma_wait3A_26 : memref<1x81920xf32, #tpu.memory_space<hbm>> -> memref<81920xf32, #tpu.memory_space<hbm>>
      %dma_wait3A_28 = arith.constant 0 : i32
      %dma_wait3A_29 = tpu.memref_slice %arg3[%add3A, %dma_wait3A_28] : memref<32x81920xf32, #tpu.memory_space<hbm>> -> memref<1x81920xf32, #tpu.memory_space<hbm>>
      %dma_wait3A_30 = tpu.memref_squeeze %dma_wait3A_29 : memref<1x81920xf32, #tpu.memory_space<hbm>> -> memref<81920xf32, #tpu.memory_space<hbm>>
      tpu.wait_dma2 semaphore(%run_scoped3A : memref<!tpu.dma_semaphore, #tpu.memory_space<semaphore_mem>>) src(%arg5 : memref<81920xf32, #tpu.memory_space<vmem>>) dst(%dma_wait3A_30 : memref<81920xf32, #tpu.memory_space<hbm>>)
      tpu.yield
    }) : () -> ()
    return
  }
}

module attributes {stable_mosaic.version = 14 : i64} {
  func.func @body(%arg0: memref<10000x128xf32, #tpu.memory_space<vmem>>, %arg1: memref<128x256xf32, #tpu.memory_space<vmem>>, %arg2: memref<10240x1xf32, #tpu.memory_space<vmem>>, %arg3: memref<8x64xf32, #tpu.memory_space<vmem>>, %arg4: memref<10000x128xf32, #tpu.memory_space<vmem>>, %arg5: memref<10000x128xf32, #tpu.memory_space<vmem>>, %arg6: memref<10000x128xf32, #tpu.memory_space<vmem>>) attributes {dimension_semantics = [], scalar_prefetch = 0 : i64, scratch_operands = 0 : i64, tpu.core_type = #tpu.core_type<tc>} {
    %get3A = arith.constant 0 : index
    %get3A_0 = arith.constant 0 : index
    %get3A_1 = vector.load %arg0[%get3A, %get3A_0] : memref<10000x128xf32, #tpu.memory_space<vmem>>, vector<10000x128xf32>
    %get3A_2 = arith.constant 0 : index
    %get3A_3 = arith.constant 0 : index
    %get3A_4 = vector.load %arg1[%get3A_2, %get3A_3] : memref<128x256xf32, #tpu.memory_space<vmem>>, vector<128x256xf32>
    %dot_general3A = arith.constant dense<0.000000e+00> : vector<10000x256xf32>
    %dot_general3A_5 = tpu.matmul %get3A_1, %get3A_4, %dot_general3A {dimension_numbers = #tpu.dot_dimension_numbers<[1], [0], [0], [1], [0, 0, 1, 1], [], []>, transpose_lhs_hint = false} : vector<10000x128xf32>, vector<128x256xf32>, vector<10000x256xf32> -> vector<10000x256xf32>
    %get3A_6 = arith.constant 0 : index
    %get3A_7 = arith.constant 0 : index
    %get3A_8 = vector.load %arg2[%get3A_6, %get3A_7] : memref<10240x1xf32, #tpu.memory_space<vmem>>, vector<10000x1xf32>
    %rsqrt3A = math.rsqrt %get3A_8 : vector<10000x1xf32>
    %slice3A = vector.extract_strided_slice %dot_general3A_5 {offsets = [0, 0], sizes = [10000, 128], strides = [1, 1]} : vector<10000x256xf32> to vector<10000x128xf32>
    %slice3A_9 = vector.extract_strided_slice %dot_general3A_5 {offsets = [0, 128], sizes = [10000, 128], strides = [1, 1]} : vector<10000x256xf32> to vector<10000x128xf32>
    %mul3A = vector.broadcast %rsqrt3A : vector<10000x1xf32> to vector<10000x128xf32>
    %mul3A_10 = arith.mulf %slice3A_9, %mul3A : vector<10000x128xf32>
    %swap3A = arith.constant 0 : index
    %swap3A_11 = arith.constant 0 : index
    %swap3A_12 = vector.load %arg4[%swap3A, %swap3A_11] : memref<10000x128xf32, #tpu.memory_space<vmem>>, vector<10000x128xf32>
    tpu.vector_store %arg4[%swap3A, %swap3A_11], %slice3A {strides = array<i32>} : memref<10000x128xf32, #tpu.memory_space<vmem>>, vector<10000x128xf32>,
    %swap3A_13 = arith.constant 0 : index
    %swap3A_14 = arith.constant 0 : index
    %swap3A_15 = vector.load %arg5[%swap3A_13, %swap3A_14] : memref<10000x128xf32, #tpu.memory_space<vmem>>, vector<10000x128xf32>
    tpu.vector_store %arg5[%swap3A_13, %swap3A_14], %mul3A_10 {strides = array<i32>} : memref<10000x128xf32, #tpu.memory_space<vmem>>, vector<10000x128xf32>,
    %get3A_16 = arith.constant 0 : index
    %get3A_17 = arith.constant 0 : index
    %get3A_18 = vector.load %arg3[%get3A_16, %get3A_17] : memref<8x64xf32, #tpu.memory_space<vmem>>, vector<1x64xf32>
    %get3A_19 = arith.constant 1 : index
    %get3A_20 = arith.constant 0 : index
    %get3A_21 = vector.load %arg3[%get3A_19, %get3A_20] : memref<8x64xf32, #tpu.memory_space<vmem>>, vector<1x64xf32>
    %slice3A_22 = vector.extract_strided_slice %slice3A {offsets = [0, 0], sizes = [10000, 64], strides = [1, 1]} : vector<10000x128xf32> to vector<10000x64xf32>
    %slice3A_23 = vector.extract_strided_slice %slice3A {offsets = [0, 64], sizes = [10000, 64], strides = [1, 1]} : vector<10000x128xf32> to vector<10000x64xf32>
    %add3A = arith.addf %slice3A_22, %slice3A_23 : vector<10000x64xf32>
    %add3A_24 = vector.broadcast %get3A_18 : vector<1x64xf32> to vector<10000x64xf32>
    %add3A_25 = arith.addf %add3A, %add3A_24 : vector<10000x64xf32>
    %max3A = arith.constant 0.000000e+00 : f32
    %max3A_26 = vector.broadcast %max3A : f32 to vector<10000x64xf32>
    %max3A_27 = arith.maximumf %add3A_25, %max3A_26 : vector<10000x64xf32>
    %mul3A_28 = vector.broadcast %get3A_21 : vector<1x64xf32> to vector<10000x64xf32>
    %mul3A_29 = arith.mulf %max3A_27, %mul3A_28 : vector<10000x64xf32>
    %reduce_sum3A = arith.constant dense<0.000000e+00> : vector<10000xf32>
    %reduce_sum3A_30 = vector.multi_reduction <add>, %mul3A_29, %reduce_sum3A [1] : vector<10000x64xf32> to vector<10000xf32>
    %broadcast_in_dim3A = vector.shape_cast %reduce_sum3A_30 : vector<10000xf32> to vector<10000x1xf32>
    %get3A_31 = arith.constant 2 : index
    %get3A_32 = arith.constant 0 : index
    %get3A_33 = vector.load %arg3[%get3A_31, %get3A_32] : memref<8x64xf32, #tpu.memory_space<vmem>>, vector<1x1xf32>
    %add3A_34 = vector.broadcast %get3A_33 : vector<1x1xf32> to vector<10000x1xf32>
    %add3A_35 = arith.addf %broadcast_in_dim3A, %add3A_34 : vector<10000x1xf32>
    %mul3A_36 = arith.mulf %add3A_35, %add3A_35 : vector<10000x1xf32>
    %add3A_37 = arith.constant 1.000000e+00 : f32
    %add3A_38 = vector.broadcast %add3A_37 : f32 to vector<10000x1xf32>
    %add3A_39 = arith.addf %add3A_38, %mul3A_36 : vector<10000x1xf32>
    %rsqrt3A_40 = math.rsqrt %add3A_39 : vector<10000x1xf32>
    %mul3A_41 = arith.mulf %add3A_35, %rsqrt3A_40 : vector<10000x1xf32>
    %eq3A = arith.constant 0.000000e+00 : f32
    %eq3A_42 = vector.broadcast %eq3A : f32 to vector<10000x1xf32>
    %eq3A_43 = arith.cmpf oeq, %add3A_35, %eq3A_42 : vector<10000x1xf32>
    %neg3A = arith.constant 0.000000e+00 : f32
    %neg3A_44 = vector.broadcast %neg3A : f32 to vector<10000x1xf32>
    %neg3A_45 = arith.subf %neg3A_44, %rsqrt3A_40 : vector<10000x1xf32>
    %select_n3A = arith.select %eq3A_43, %rsqrt3A_40, %neg3A_45 : vector<10000x1xi1>, vector<10000x1xf32>
    %slice3A_46 = vector.extract_strided_slice %mul3A_10 {offsets = [0, 0], sizes = [10000, 64], strides = [1, 1]} : vector<10000x128xf32> to vector<10000x64xf32>
    %slice3A_47 = vector.extract_strided_slice %mul3A_10 {offsets = [0, 64], sizes = [10000, 64], strides = [1, 1]} : vector<10000x128xf32> to vector<10000x64xf32>
    %mul3A_48 = vector.broadcast %select_n3A : vector<10000x1xf32> to vector<10000x64xf32>
    %mul3A_49 = arith.mulf %mul3A_48, %slice3A_46 : vector<10000x64xf32>
    %mul3A_50 = vector.broadcast %mul3A_41 : vector<10000x1xf32> to vector<10000x64xf32>
    %mul3A_51 = arith.mulf %mul3A_50, %slice3A_47 : vector<10000x64xf32>
    %sub3A = arith.subf %mul3A_49, %mul3A_51 : vector<10000x64xf32>
    %mul3A_52 = vector.broadcast %rsqrt3A_40 : vector<10000x1xf32> to vector<10000x64xf32>
    %mul3A_53 = arith.mulf %mul3A_52, %slice3A_47 : vector<10000x64xf32>
    %mul3A_54 = vector.broadcast %mul3A_41 : vector<10000x1xf32> to vector<10000x64xf32>
    %mul3A_55 = arith.mulf %mul3A_54, %slice3A_46 : vector<10000x64xf32>
    %sub3A_56 = arith.subf %mul3A_53, %mul3A_55 : vector<10000x64xf32>
    %concatenate3A = tpu.concatenate %sub3A, %sub3A_56 in 1 : vector<10000x64xf32>, vector<10000x64xf32> -> vector<10000x128xf32>
    %swap3A_57 = arith.constant 0 : index
    %swap3A_58 = arith.constant 0 : index
    %swap3A_59 = vector.load %arg6[%swap3A_57, %swap3A_58] : memref<10000x128xf32, #tpu.memory_space<vmem>>, vector<10000x128xf32>
    tpu.vector_store %arg6[%swap3A_57, %swap3A_58], %concatenate3A {strides = array<i32>} : memref<10000x128xf32, #tpu.memory_space<vmem>>, vector<10000x128xf32>,
    return
  }
}

module attributes {stable_mosaic.version = 14 : i64} {
  func.func @body(%arg0: memref<10000x128xf32, #tpu.memory_space<vmem>>, %arg1: memref<2x10240x128xf32, #tpu.memory_space<vmem>>, %arg2: memref<10000x128xf32, #tpu.memory_space<vmem>>, %arg3: memref<10240x1xf32, #tpu.memory_space<vmem>>, %arg4: memref<8x128xf32, #tpu.memory_space<vmem>>, %arg5: memref<10000x128xf32, #tpu.memory_space<vmem>>) attributes {dimension_semantics = [], scalar_prefetch = 0 : i64, scratch_operands = 0 : i64, tpu.core_type = #tpu.core_type<tc>} {
    %get3A = arith.constant 0 : index
    %get3A_0 = arith.constant 0 : index
    %get3A_1 = arith.constant 0 : index
    %get3A_2 = vector.load %arg1[%get3A, %get3A_0, %get3A_1] : memref<2x10240x128xf32, #tpu.memory_space<vmem>>, vector<1x10000x128xf32>
    %get3A_3 = vector.shape_cast %get3A_2 : vector<1x10000x128xf32> to vector<10000x128xf32>
    %get3A_4 = arith.constant 1 : index
    %get3A_5 = arith.constant 0 : index
    %get3A_6 = arith.constant 0 : index
    %get3A_7 = vector.load %arg1[%get3A_4, %get3A_5, %get3A_6] : memref<2x10240x128xf32, #tpu.memory_space<vmem>>, vector<1x10000x128xf32>
    %get3A_8 = vector.shape_cast %get3A_7 : vector<1x10000x128xf32> to vector<10000x128xf32>
    %add3A = arith.addf %get3A_3, %get3A_8 : vector<10000x128xf32>
    %get3A_9 = arith.constant 0 : index
    %get3A_10 = arith.constant 0 : index
    %get3A_11 = vector.load %arg2[%get3A_9, %get3A_10] : memref<10000x128xf32, #tpu.memory_space<vmem>>, vector<10000x128xf32>
    %add3A_12 = arith.addf %add3A, %get3A_11 : vector<10000x128xf32>
    %get3A_13 = arith.constant 0 : index
    %get3A_14 = arith.constant 0 : index
    %get3A_15 = vector.load %arg3[%get3A_13, %get3A_14] : memref<10240x1xf32, #tpu.memory_space<vmem>>, vector<10000x1xf32>
    %rsqrt3A = math.rsqrt %get3A_15 : vector<10000x1xf32>
    %mul3A = vector.broadcast %rsqrt3A : vector<10000x1xf32> to vector<10000x128xf32>
    %mul3A_16 = arith.mulf %add3A_12, %mul3A : vector<10000x128xf32>
    %gt3A = arith.constant 0.000000e+00 : f32
    %gt3A_17 = vector.broadcast %gt3A : f32 to vector<10000x128xf32>
    %gt3A_18 = arith.cmpf ogt, %mul3A_16, %gt3A_17 : vector<10000x128xf32>
    %min3A = arith.constant 0.000000e+00 : f32
    %min3A_19 = vector.broadcast %min3A : f32 to vector<10000x128xf32>
    %min3A_20 = arith.minimumf %mul3A_16, %min3A_19 : vector<10000x128xf32>
    %exp3A = math.exp %min3A_20 : vector<10000x128xf32>
    %sub3A = arith.constant 1.000000e+00 : f32
    %sub3A_21 = vector.broadcast %sub3A : f32 to vector<10000x128xf32>
    %sub3A_22 = arith.subf %exp3A, %sub3A_21 : vector<10000x128xf32>
    %select_n3A = arith.select %gt3A_18, %mul3A_16, %sub3A_22 : vector<10000x128xi1>, vector<10000x128xf32>
    %get3A_23 = arith.constant 0 : index
    %get3A_24 = arith.constant 0 : index
    %get3A_25 = vector.load %arg0[%get3A_23, %get3A_24] : memref<10000x128xf32, #tpu.memory_space<vmem>>, vector<10000x128xf32>
    %get3A_26 = arith.constant 0 : index
    %get3A_27 = arith.constant 0 : index
    %get3A_28 = vector.load %arg4[%get3A_26, %get3A_27] : memref<8x128xf32, #tpu.memory_space<vmem>>, vector<1x128xf32>
    %mul3A_29 = vector.broadcast %get3A_28 : vector<1x128xf32> to vector<10000x128xf32>
    %mul3A_30 = arith.mulf %mul3A_29, %select_n3A : vector<10000x128xf32>
    %sub3A_31 = arith.subf %get3A_25, %mul3A_30 : vector<10000x128xf32>
    %swap3A = arith.constant 0 : index
    %swap3A_32 = arith.constant 0 : index
    %swap3A_33 = vector.load %arg5[%swap3A, %swap3A_32] : memref<10000x128xf32, #tpu.memory_space<vmem>>, vector<10000x128xf32>
    tpu.vector_store %arg5[%swap3A, %swap3A_32], %sub3A_31 {strides = array<i32>} : memref<10000x128xf32, #tpu.memory_space<vmem>>, vector<10000x128xf32>,
    return
  }
}

</mosaic_0001>

<sc_bundles>
// kernel: kernel.6.cloned.1.call-start
scs
__scs_entry_jumppad:
0x0: {  	(pc) =	sbr.rel $0x88, $3  }
0x1: {  	(tag) =	ssettag $0x0;
	lr =	simm.s32 $0x1  }
0x2: {  	[smem:$0x3F98] =	sst lr;
	_ =	strace $0xD0000000  }
0x3: {  	_ = 	snop  }
0x4: {  	_ = 	snop  }
0x5: {  	_ = 	snop  }
0x6: {  	_ = 	snop  }
0x7: {  	_ = 	snop  }
__scs_overlays_trampoline_lowered:
0x8: {  	[smem:$0x3FA7] =	sst s0  }
0x9: {  	[smem:$0x3FA8] =	sst s1  }
0xa: {  	[smem:$0x3FA9] =	sst s2  }
0xb: {  	[smem:$0x3FAA] =	sst s3  }
0xc: {  	[smem:$0x3FAB] =	sst s4  }
0xd: {  	[smem:$0x3FAC] =	sst s5  }
0xe: {  	[smem:$0x3FAD] =	sst s6  }
0xf: {  	[smem:$0x3FAE] =	sst s7  }
0x10: {  	[smem:$0x3FAF] =	sst s8  }
0x11: {  	[smem:$0x3FB0] =	sst s9;
	s0 =	simm.s32 @!p0 $0x0  }
0x12: {  	s1 =	sld [smem:$0x3F96];
	s0 =	simm.s32 @p0 $0x1  }
0x13: {  	[smem:$0x3FB1] =	sst s0;
	s0 =	simm.s32 @!p1 $0x0  }
0x14: {  	s2 =	sld [smem:$0x3F95];
	s0 =	simm.s32 @p1 $0x1  }
0x15: {  	[smem:$0x3FB2] =	sst s0;
	s0 =	simm.s32 @!p2 $0x0  }
0x16: {  	s3 =	sld [smem:$0x3FDB];
	s0 =	simm.s32 @p2 $0x1  }
0x17: {  	s4 =	simm.s32 $0x1BF5;
	[smem:$0x3FB4] =	sst s0  }
0x18: {  	s0 =	sld [smem:$0x3F97];
	_ =	swait.ge [sflag:s4], $0x0  }
0x19: {  	s7 =	sld [smem:$0x3F98]  }
0x1a: {  	s8 =	sadd.s32 $0xFFFFE003, lr  }
0x1b: {  	s9 =	sadd.s32 $0xFFFFFEF7, lr;
	s5 =	simm.s32 $0xFFFFFFFF;
	p2 =	slt.u32 s8, $0xFFFFF086  }
0x1c: {  	p1 =	slt.u32 s9, $0xF7A;
	s5 =	simm.s32 @!p2 $0x0  }
0x1d: {  	s5 =	simm.s32 @p1 $0x1;
	p0 =	seq.s32 s7, s2  }
0x1e: {  	s7 =	smul.u32 @!p0 $0xF7A, s2;
	p2 =	seq.s32 @!p0 s5, $0x0  }
0x1f: {  	s9 =	smul.u32 $0xF7A, s1;
	s8 =	simm.s32 @!p0 $0x1BF5;
	p2 =	por !p2, p0  }
0x20: {  	[sflag:s8] =	ssyncset.s32 @!p0 $0xFFFFF086;
	s6 =	sadd.s32 @!p0 s3, s7;
	s7 =	simm.s32 @!p0 $0x108  }
0x21: {  	s3 =	sadd.s32 s3, s9;
	s6 =	sadd.s32 @!p0 $0x88, s6;
	s7 =	simm.s32 @p2 $0x1082  }
0x22: {  	[simem:s7], [sflag:s8] =	dma.local @!p0 [hbm:s6], $0xF7A  }
0x23: {  	s9 =	sor.u32 $0xD0000000, s2;
	s6 =	simm.s32 $0x108;
	_ =	swait.ge @!p0 [sflag:s8], $0x0  }
0x24: {  	s3 =	sadd.s32 $0x88, s3;
	s6 =	simm.s32 @!p1 $0x1082;
	[sflag:s4] =	ssyncset.s32 $0xFFFFF086  }
0x25: {  	[simem:s6], [sflag:s4] =	dma.local [hbm:s3], $0xF7A  }
0x26: {  	[smem:$0x3F98] =	sst s1;
	(tag) =	ssettag s2;
	_ =	strace s9  }
0x27: {  	s1 =	sld [smem:$0x3FA8]  }
0x28: {  	s2 =	sld [smem:$0x3FA9]  }
0x29: {  	s4 =	sld [smem:$0x3FAB]  }
0x2a: {  	p0 =	seq.s32 s5, $0x0;
	s5 =	sld [smem:$0x3FAC]  }
0x2b: {  	s6 =	sld [smem:$0x3FAD]  }
0x2c: {  	s7 =	sld [smem:$0x3FAE]  }
0x2d: {  	s3 =	simm.s32 $0x108;
	s8 =	sld [smem:$0x3FAF]  }
0x2e: {  	s3 =	simm.s32 @!p0 $0x1082;
	s9 =	sld [smem:$0x3FB0]  }
0x2f: {  	lr =	sadd.s32 s0, s3;
	s0 =	sld [smem:$0x3FA7]  }
0x30: {  	s3 =	sld [smem:$0x3FAA]  }
0x31: {  	[smem:$0x3FB3] =	sst s10  }
0x32: {  	s10 =	sld [smem:$0x3FB1];
	_ =	sdelay $0x3  }
0x33: {  	p0 =	seq.s32 s10, $0x1;
	s10 =	sld [smem:$0x3FB3];
	_ =	sdelay $0x3  }
0x34: {  	[smem:$0x3FB3] =	sst s10  }
0x35: {  	s10 =	sld [smem:$0x3FB2];
	_ =	sdelay $0x3  }
0x36: {  	p1 =	seq.s32 s10, $0x1;
	s10 =	sld [smem:$0x3FB3];
	_ =	sdelay $0x3  }
0x37: {  	[smem:$0x3FB3] =	sst s10  }
0x38: {  	s10 =	sld [smem:$0x3FB4]  }
0x39: {  	_ = 	snop;
	(pc) =	sbr.ind lr, $3  }
0x3a: {  	_ = 	snop  }
0x3b: {  	_ = 	snop  }
0x3c: {  	p2 =	seq.s32 s10, $0x1;
	s10 =	sld [smem:$0x3FB3]  }
0x3d: {  	_ =	shalt  }
0x3e: {  	_ =	shalt  }
0x3f: {  	_ =	shalt  }
0x40: {  	_ =	shalt  }
0x41: {  	_ =	shalt  }
0x42: {  	_ =	shalt  }
0x43: {  	_ =	shalt  }
0x44: {  	_ =	shalt  }
0x45: {  	_ =	shalt  }
0x46: {  	_ =	shalt  }
0x47: {  	_ =	shalt  }
0x48: {  	_ =	shalt  }
0x49: {  	_ =	shalt  }
0x4a: {  	_ =	shalt  }
0x4b: {  	_ =	shalt  }
0x4c: {  	_ =	shalt  }
0x4d: {  	_ =	shalt  }
0x4e: {  	_ =	shalt  }
0x4f: {  	_ =	shalt  }
0x50: {  	_ =	shalt  }
0x51: {  	_ =	shalt  }
0x52: {  	_ =	shalt  }
0x53: {  	_ =	shalt  }
0x54: {  	_ =	shalt  }
0x55: {  	_ =	shalt  }
0x56: {  	_ =	shalt  }
0x57: {  	_ =	shalt  }
0x58: {  	_ =	shalt  }
0x59: {  	_ =	shalt  }
0x5a: {  	_ =	shalt  }
0x5b: {  	_ =	shalt  }
0x5c: {  	_ =	shalt  }
0x5d: {  	_ =	shalt  }
0x5e: {  	_ =	shalt  }
0x5f: {  	_ =	shalt  }
0x60: {  	_ =	shalt  }
0x61: {  	_ =	shalt  }
0x62: {  	_ =	shalt  }
0x63: {  	_ =	shalt  }
0x64: {  	_ =	shalt  }
0x65: {  	_ =	shalt  }
0x66: {  	_ =	shalt  }
0x67: {  	_ =	shalt  }
0x68: {  	_ =	shalt  }
0x69: {  	_ =	shalt  }
0x6a: {  	_ =	shalt  }
0x6b: {  	_ =	shalt  }
0x6c: {  	_ =	shalt  }
0x6d: {  	_ =	shalt  }
0x6e: {  	_ =	shalt  }
0x6f: {  	_ =	shalt  }
0x70: {  	_ =	shalt  }
0x71: {  	_ =	shalt  }
0x72: {  	_ =	shalt  }
0x73: {  	_ =	shalt  }
0x74: {  	_ =	shalt  }
0x75: {  	_ =	shalt  }
0x76: {  	_ =	shalt  }
0x77: {  	_ =	shalt  }
0x78: {  	_ =	shalt  }
0x79: {  	_ =	shalt  }
0x7a: {  	_ =	shalt  }
0x7b: {  	_ =	shalt  }
0x7c: {  	_ =	shalt  }
0x7d: {  	_ =	shalt  }
0x7e: {  	_ =	shalt  }
0x7f: {  	_ =	shalt  }
0x80: {  	_ =	shalt  }
0x81: {  	_ =	shalt  }
0x82: {  	_ =	shalt  }
0x83: {  	_ =	shalt  }
0x84: {  	_ =	shalt  }
0x85: {  	_ =	shalt  }
0x86: {  	_ =	shalt  }
0x87: {  	_ =	shalt  }
.Lfunc_end0:
.L_simem_size_0:
called_computation_lowered:
.L_overlay_start_0:
0x88: {  	s2 =	sld [smem:$0x3FD9]  }
0x89: {  	s3 =	sld [smem:$0x3FFE];
	_ =	sdelay $0x1  }
0x8a: {  	s1 =	srdreg.scid  }
0x8b: {  	s0 =	sand.u32 $0x1, s1  }
0x8c: {  	s16 =	sshll.u32 s0, $0xA;
	s2 =	sadd.s32 s3, s2  }
0x8d: {  	s2 =	sadd.s32 s2, s16  }
0x8e: {  	[smem:$0x3FBF] =	sst s2  }
0x8f: {  	_ = 	snop  }
0x90: {  	(tm) =	ssettm $0x1  }
0x91: {  	s17 =	sld [smem:$0x3FFB];
	_ =	sdelay $0x3  }
0x92: {  	_ =	strace s17  }
0x93: {  	s2 =	sld [smem:$0x3FFC];
	_ =	sdelay $0x3  }
0x94: {  	_ =	strace s2  }
0x95: {  	s2 =	sld [smem:$0x3FFD];
	_ =	sdelay $0x3  }
0x96: {  	_ =	strace s2  }
0x97: {  	_ =	strace $0x8FFFFFFF  }
0x98: {  	s18 =	sld [smem:$0x3FDB];
	_ =	sdelay $0x1  }
0x99: {  	s19 =	simm.s32 $_scs_section_size  }
0x9a: {  	s4 =	simm.s32 $_size__tile_overlayer_lowered;
	s5 =	simm.s32 $_tile_overlayer_lowered  }
0x9b: {  	s22 =	simm.s32 $0x1BFF;
	s21 =	sshll.u32 s5, $0x1;
	s2 =	sadd.s32 s19, s18  }
0x9c: {  	s6 =	simm.s32 $0x0;
	s20 =	sshll.u32 s4, $0x1;
	s4 =	sadd.s32 s21, s2  }
0x9d: {  	[timem:s6], [sflag:s22] =	dma.local [hbm:s4], s20  }
0x9e: {  	_ =	swait.ge [sflag:s22], s20  }
0x9f: {  	s3 =	ssub.s32 $0x0, s20;
	[sflag:s22] =	ssyncset.done $0x0  }
0xa0: {  	[sflag:s22] =	ssyncadd.s32 s3;
	_ =	sdelay $0x1  }
0xa1: {  	s23 =	simm.s32 $0x1B8B  }
0xa2: {  	_ =	swait.ge [sflag:s23], $0x1  }
0xa3: {  	[sflag:s23] =	ssyncset.done $0x0  }
0xa4: {  	s25 =	simm.s32 $0x1B8E;
	s24 =	sld [smem:$0x3FFE];
	[sflag:s23] =	ssyncadd.s32 $0xFFFFFFFF  }
0xa5: {  	s26 =	simm.s32 $execute0_lowered;
	[smem:$0x3FD2] =	sst s25  }
0xa6: {  	s4 =	sshll.u32 s26, $0x1;
	_ =	strace $0x80000046;
	[dreg:$0x1] =	wrdreg $0xFFFFFFFF  }
0xa7: {  	s28 =	simm.s32 $_size_execute0_lowered;
	s2 =	sadd.s32 s2, s4;
	[dreg:$0x0] =	wrdreg $0x0  }
0xa8: {  	s4 =	sshll.u32 s28, $0x1;
	[dreg:$0x2] =	wrdreg s2  }
0xa9: {  	[dreg:$0x3] =	wrdreg s4  }
0xaa: {  	[dreg:$0x4] =	wrdreg $0xC0  }
0xab: {  	_ =	task [dreg:s6], $0x5FFFF  }
0xac: {  	[dreg:$0x1] =	wrdreg $0xFFFFFFFF  }
0xad: {  	[dreg:$0x0] =	wrdreg $0x60  }
0xae: {  	[dreg:$0x2] =	wrdreg s24  }
0xaf: {  	[dreg:$0x3] =	wrdreg $0x9  }
0xb0: {  	_ =	task.clear_ibuf [dreg:s6], $0x4FFFF;
	_ =	strace $0x90000046  }
0xb1: {  	s29 =	simm.s32 $0x9;
	_ =	strace $0x80000048  }
0xb2: {  	_ =	swait.ge [sflag:s29], $0x1  }
0xb3: {  	[sflag:s29] =	ssyncadd.s32 $0xFFFFFFFF  }
0xb4: {  	_ =	strace $0x90000048  }
0xb5: {  	_ =	sfence  }
0xb6: {  	s30 =	sld [smem:$0x0];
	_ =	sdelay $0x2  }
0xb7: {  	s31 =	sshll.u32 s1, $0xD;
	s1 =	sshrl.u32 s1, $0x2  }
0xb8: {  	s3 =	sand.u32 $0x4000, s31;
	s1 =	sadd.s32 s1, s30  }
0xb9: {  	s0 =	sor.u32 s3, s0;
	s1 =	sshll.u32 s1, $0x11  }
0xba: {  	s0 =	sor.u32 s1, s0  }
0xbb: {  	s0 =	sadd.s32 $0x8F2B, s0  }
0xbc: {  	[sflag:s0] =	ssyncadd.remote.s32 $0x1  }
0xbd: {  	_ =	sfence.sel $0xFFFF  }
0xbe: {  	[dreg:$0x0] =	wrdreg $0xFFFFFFFF;
	(pc) =	sbr.abs _section_cstart, $3  }
0xbf: {  	[dreg:$0x1] =	wrdreg $0xFFFFFFFF  }
0xc0: {  	_ =	task.clear_ibuf [dreg:s6], $0x2FFFF;
	_ =	strace $0x9FFFFFFF  }
0xc1: {  	(tm) =	ssettm $0x7FFFFFFF  }
tec
execute0_lowered:
.L_overlay_start_1:
0x0: {  	(tag) =	ssettag $0x1  }
0x1: {  	s0 =	srdreg.scid  }
0x2: {  	s3 =	sand.u32 $0x1, s0  }
0x3: {  	s0 =	stileid.u32;
	s1 =	sshll.u32 s3, $0x4  }
0x4: {  	s5 =	rddreg [dreg:$0x0];
	s4 =	sor.u32 s0, s1  }
0x5: {  	s2 =	simm.s32 $0x0;
	s9 =	simm.s32 $0x80;
	s1 =	sshrl.u32 s4, $0x3  }
0x6: {  	s7 =	sshll.u32 s0, $0x7;
	s30 =	ssub.s32 $0x2, s3;
	s6 =	smul.u32 $0xA0000, s1  }
0x7: {  	[smem:$0x7FF] =	sst s2;
	s7 =	sand.u32 $0x380, s7;
	s8 =	sshrl.u32 s30, $0x1  }
0x8: {  	s3 =	sadd.s32 $0xBC00, s5;
	s31 =	ssub.s32 s30, s8;
	s6 =	sor.u32 s7, s6  }
0x9: {  	s4 =	smul.u32 $0x2710, s4;
	s8 =	simm.s32 $0x400;
	s6 =	sshrl.u32 s6, $0x3  }
0xa: {  	v0 =	vimm.f32 $0.0e+00;
	vm0 =	vcmask $0x300;
	s1 =	rddreg [dreg:$0x1];
	_ =	strace $0x80000047;
	s5 =	sadd.s32 s6, s5  }
0xb: {  	v1 =	vsel vm0, $0x3F800000, v0;
	s7 =	simm.s32 $0x1;
	s6 =	smax.u32 s31, $0x1;
	s5 =	sadd.s32 $0x15A00, s5  }
.LBB2_1:
0xc: {  	s10 =	simm.s32 $0x40;
	s11 =	simm.s32 $0x0  }
.LBB2_2:
0xd: {  	p0 =	sne.s32 s10, $0x4FFC0;
	[tilespmem:s11+$0x80] =	vst v0;
	s11 =	smov.u32 s10;
	s10 =	sadd.s32 $0x40, s10  }
.Ltmp0:
0xe: {  	(pc) =	sbr.rel @p0 .LBB2_2-.Ltmp0, $2  }
0xf: {  	_ =	sdelay $0x2  }
0x10: {  	s11 =	sshra.s32 s11, $0x2  }
0x11: {  	[tilespmem:s11+$0x80] =	vst v0;
	s10 =	simm.s32 $0x0;
	s11 =	simm.s32 $0x0  }
.LBB2_4:
0x12: {  	s12 =	smul.u32 $0x50, s11;
	_ =	sdelay $0x1  }
0x13: {  	s12 =	sadd.s32 s4, s12  }
0x14: {  	s12 =	sshrl.u32 s12, $0x3  }
0x15: {  	s12 =	sadd.s32 s3, s12  }
0x16: {  	[tilespmem:s10], [sflag:$0x1] =	stream.linear.gather [hbm4b:s12+s10], $0x50, $0x38;
	[tilespmem:$0x14080] =	vst v63  }
0x17: {  	_ =	swait.ge [sflag:s7], $0x50  }
0x18: {  	[sflag:s7] =	ssyncset.done $0x0  }
0x19: {  	s15 =	simm.s32 $0x0;
	[sflag:s7] =	ssyncadd.s32 $0xFFFFFFB0  }
0x1a: {  	v2 =	vld [tilespmem:s15+$0x0];
	_ =	sdelay $0x4  }
0x1b: {  	v2 =	vshll.u32 v2, $0x3  }
0x1c: {  	v2 =	vadd.s32 $0x80, v2  }
0x1d: {  	(v2sf) =	vpush v2, $0x0;
	_ =	sdelay $0x7  }
0x1e: {  	(v2sf) =	vpush v2, $0x1;
	_ =	sdelay $0x6  }
0x1f: {  	s16 =	spop (v2sf)  }
0x20: {  	(v2sf) =	vpush v2, $0x2;
	v3 =	vld [tilespmem:s16+$0x0];
	_ =	sdelay $0x4  }
0x21: {  	v3 =	vadd.f32 v1, v3;
	_ =	sdelay $0x1  }
0x22: {  	s17 =	spop (v2sf);
	[tilespmem:s16+$0x0] =	vst v3  }
0x23: {  	(v2sf) =	vpush v2, $0x3;
	v3 =	vld [tilespmem:s17+$0x0];
	_ =	sdelay $0x4  }
0x24: {  	v3 =	vadd.f32 v1, v3;
	_ =	sdelay $0x1  }
0x25: {  	s18 =	spop (v2sf);
	[tilespmem:s17+$0x0] =	vst v3  }
0x26: {  	(v2sf) =	vpush v2, $0x4;
	v3 =	vld [tilespmem:s18+$0x0];
	_ =	sdelay $0x4  }
0x27: {  	v3 =	vadd.f32 v1, v3;
	_ =	sdelay $0x1  }
0x28: {  	s19 =	spop (v2sf);
	[tilespmem:s18+$0x0] =	vst v3  }
0x29: {  	(v2sf) =	vpush v2, $0x5;
	v3 =	vld [tilespmem:s19+$0x0];
	_ =	sdelay $0x4  }
0x2a: {  	v3 =	vadd.f32 v1, v3;
	_ =	sdelay $0x1  }
0x2b: {  	s20 =	spop (v2sf);
	[tilespmem:s19+$0x0] =	vst v3  }
0x2c: {  	(v2sf) =	vpush v2, $0x6;
	v3 =	vld [tilespmem:s20+$0x0];
	_ =	sdelay $0x4  }
0x2d: {  	v3 =	vadd.f32 v1, v3;
	_ =	sdelay $0x1  }
0x2e: {  	s21 =	spop (v2sf);
	[tilespmem:s20+$0x0] =	vst v3  }
0x2f: {  	(v2sf) =	vpush v2, $0x7;
	v3 =	vld [tilespmem:s21+$0x0];
	_ =	sdelay $0x4  }
0x30: {  	v3 =	vadd.f32 v1, v3;
	_ =	sdelay $0x1  }
0x31: {  	s22 =	spop (v2sf);
	[tilespmem:s21+$0x0] =	vst v3  }
0x32: {  	(v2sf) =	vpush v2, $0x8;
	v3 =	vld [tilespmem:s22+$0x0];
	_ =	sdelay $0x4  }
0x33: {  	v3 =	vadd.f32 v1, v3;
	_ =	sdelay $0x1  }
0x34: {  	s23 =	spop (v2sf);
	[tilespmem:s22+$0x0] =	vst v3  }
0x35: {  	(v2sf) =	vpush v2, $0x9;
	v3 =	vld [tilespmem:s23+$0x0];
	_ =	sdelay $0x4  }
0x36: {  	v3 =	vadd.f32 v1, v3;
	_ =	sdelay $0x1  }
0x37: {  	s24 =	spop (v2sf);
	[tilespmem:s23+$0x0] =	vst v3  }
0x38: {  	(v2sf) =	vpush v2, $0xA;
	v3 =	vld [tilespmem:s24+$0x0];
	_ =	sdelay $0x4  }
0x39: {  	v3 =	vadd.f32 v1, v3;
	_ =	sdelay $0x1  }
0x3a: {  	s25 =	spop (v2sf);
	[tilespmem:s24+$0x0] =	vst v3  }
0x3b: {  	(v2sf) =	vpush v2, $0xB;
	v3 =	vld [tilespmem:s25+$0x0];
	_ =	sdelay $0x4  }
0x3c: {  	v3 =	vadd.f32 v1, v3;
	_ =	sdelay $0x1  }
0x3d: {  	s26 =	spop (v2sf);
	[tilespmem:s25+$0x0] =	vst v3  }
0x3e: {  	(v2sf) =	vpush v2, $0xC;
	v3 =	vld [tilespmem:s26+$0x0];
	_ =	sdelay $0x4  }
0x3f: {  	v3 =	vadd.f32 v1, v3;
	_ =	sdelay $0x1  }
0x40: {  	s28 =	spop (v2sf);
	[tilespmem:s26+$0x0] =	vst v3  }
0x41: {  	(v2sf) =	vpush v2, $0xD;
	v3 =	vld [tilespmem:s28+$0x0];
	_ =	sdelay $0x4  }
0x42: {  	v3 =	vadd.f32 v1, v3;
	_ =	sdelay $0x1  }
0x43: {  	s29 =	spop (v2sf);
	[tilespmem:s28+$0x0] =	vst v3  }
0x44: {  	(v2sf) =	vpush v2, $0xE;
	v3 =	vld [tilespmem:s29+$0x0];
	_ =	sdelay $0x4  }
0x45: {  	v3 =	vadd.f32 v1, v3;
	_ =	sdelay $0x1  }
0x46: {  	s30 =	spop (v2sf);
	[tilespmem:s29+$0x0] =	vst v3  }
0x47: {  	(v2sf) =	vpush v2, $0xF;
	v3 =	vld [tilespmem:s30+$0x0];
	_ =	sdelay $0x4  }
0x48: {  	v2 =	vadd.f32 v1, v3;
	_ =	sdelay $0x1  }
0x49: {  	s31 =	spop (v2sf);
	[tilespmem:s30+$0x0] =	vst v2  }
0x4a: {  	v2 =	vld [tilespmem:s31+$0x0];
	_ =	sdelay $0x4  }
0x4b: {  	v2 =	vadd.f32 v1, v2;
	_ =	sdelay $0x1  }
0x4c: {  	s14 =	spop (v2sf);
	[tilespmem:s31+$0x0] =	vst v2  }
0x4d: {  	v2 =	vld [tilespmem:s14+$0x0];
	_ =	sdelay $0x4  }
0x4e: {  	s13 =	simm.s32 $0x80;
	s12 =	simm.s32 $0x40;
	v2 =	vadd.f32 v1, v2  }
.LBB2_5:
0x4f: {  	p0 =	sne.s32 s13, $0x100  }
0x50: {  	s15 =	sshra.s32 s12, $0x2;
	s12 =	smov.u32 s13;
	s13 =	sadd.s32 $0x40, s13;
	[tilespmem:s14+$0x0] =	vst v2  }
0x51: {  	v2 =	vld [tilespmem:s15+$0x0];
	_ =	sdelay $0x4  }
0x52: {  	v2 =	vshll.u32 v2, $0x3  }
0x53: {  	v2 =	vadd.s32 $0x80, v2  }
0x54: {  	(v2sf) =	vpush v2, $0x0;
	_ =	sdelay $0x7  }
0x55: {  	(v2sf) =	vpush v2, $0x1;
	_ =	sdelay $0x6  }
0x56: {  	s14 =	spop (v2sf)  }
0x57: {  	v3 =	vld [tilespmem:s14+$0x0];
	(v2sf) =	vpush v2, $0x2;
	_ =	sdelay $0x4  }
0x58: {  	v3 =	vadd.f32 v1, v3;
	_ =	sdelay $0x1  }
0x59: {  	[tilespmem:s14+$0x0] =	vst v3;
	s14 =	spop (v2sf)  }
0x5a: {  	v3 =	vld [tilespmem:s14+$0x0];
	(v2sf) =	vpush v2, $0x3;
	_ =	sdelay $0x4  }
0x5b: {  	v3 =	vadd.f32 v1, v3;
	_ =	sdelay $0x1  }
0x5c: {  	[tilespmem:s14+$0x0] =	vst v3;
	s14 =	spop (v2sf)  }
0x5d: {  	v3 =	vld [tilespmem:s14+$0x0];
	(v2sf) =	vpush v2, $0x4;
	_ =	sdelay $0x4  }
0x5e: {  	v3 =	vadd.f32 v1, v3;
	_ =	sdelay $0x1  }
0x5f: {  	[tilespmem:s14+$0x0] =	vst v3;
	s14 =	spop (v2sf)  }
0x60: {  	v3 =	vld [tilespmem:s14+$0x0];
	(v2sf) =	vpush v2, $0x5;
	_ =	sdelay $0x4  }
0x61: {  	v3 =	vadd.f32 v1, v3;
	_ =	sdelay $0x1  }
0x62: {  	[tilespmem:s14+$0x0] =	vst v3;
	s14 =	spop (v2sf)  }
0x63: {  	v3 =	vld [tilespmem:s14+$0x0];
	(v2sf) =	vpush v2, $0x6;
	_ =	sdelay $0x4  }
0x64: {  	v3 =	vadd.f32 v1, v3;
	_ =	sdelay $0x1  }
0x65: {  	[tilespmem:s14+$0x0] =	vst v3;
	s14 =	spop (v2sf)  }
0x66: {  	v3 =	vld [tilespmem:s14+$0x0];
	(v2sf) =	vpush v2, $0x7;
	_ =	sdelay $0x4  }
0x67: {  	v3 =	vadd.f32 v1, v3;
	_ =	sdelay $0x1  }
0x68: {  	[tilespmem:s14+$0x0] =	vst v3;
	s14 =	spop (v2sf)  }
0x69: {  	v3 =	vld [tilespmem:s14+$0x0];
	(v2sf) =	vpush v2, $0x8;
	_ =	sdelay $0x4  }
0x6a: {  	v3 =	vadd.f32 v1, v3;
	_ =	sdelay $0x1  }
0x6b: {  	[tilespmem:s14+$0x0] =	vst v3;
	s14 =	spop (v2sf)  }
0x6c: {  	v3 =	vld [tilespmem:s14+$0x0];
	(v2sf) =	vpush v2, $0x9;
	_ =	sdelay $0x4  }
0x6d: {  	v3 =	vadd.f32 v1, v3;
	_ =	sdelay $0x1  }
0x6e: {  	[tilespmem:s14+$0x0] =	vst v3;
	s14 =	spop (v2sf)  }
0x6f: {  	v3 =	vld [tilespmem:s14+$0x0];
	(v2sf) =	vpush v2, $0xA;
	_ =	sdelay $0x4  }
0x70: {  	v3 =	vadd.f32 v1, v3;
	_ =	sdelay $0x1  }
0x71: {  	[tilespmem:s14+$0x0] =	vst v3;
	s14 =	spop (v2sf)  }
0x72: {  	v3 =	vld [tilespmem:s14+$0x0];
	(v2sf) =	vpush v2, $0xB;
	_ =	sdelay $0x4  }
0x73: {  	v3 =	vadd.f32 v1, v3;
	_ =	sdelay $0x1  }
0x74: {  	[tilespmem:s14+$0x0] =	vst v3;
	s14 =	spop (v2sf)  }
0x75: {  	v3 =	vld [tilespmem:s14+$0x0];
	(v2sf) =	vpush v2, $0xC;
	_ =	sdelay $0x4  }
0x76: {  	v3 =	vadd.f32 v1, v3;
	_ =	sdelay $0x1  }
0x77: {  	[tilespmem:s14+$0x0] =	vst v3;
	s14 =	spop (v2sf)  }
0x78: {  	v3 =	vld [tilespmem:s14+$0x0];
	(v2sf) =	vpush v2, $0xD;
	_ =	sdelay $0x4  }
0x79: {  	v3 =	vadd.f32 v1, v3;
	_ =	sdelay $0x1  }
0x7a: {  	[tilespmem:s14+$0x0] =	vst v3;
	s14 =	spop (v2sf)  }
0x7b: {  	v3 =	vld [tilespmem:s14+$0x0];
	(v2sf) =	vpush v2, $0xE;
	_ =	sdelay $0x4  }
0x7c: {  	v3 =	vadd.f32 v1, v3;
	_ =	sdelay $0x1  }
0x7d: {  	[tilespmem:s14+$0x0] =	vst v3;
	s14 =	spop (v2sf)  }
0x7e: {  	v3 =	vld [tilespmem:s14+$0x0];
	(v2sf) =	vpush v2, $0xF;
	_ =	sdelay $0x4  }
0x7f: {  	v2 =	vadd.f32 v1, v3;
	_ =	sdelay $0x1  }
0x80: {  	[tilespmem:s14+$0x0] =	vst v2;
	s14 =	spop (v2sf)  }
0x81: {  	v2 =	vld [tilespmem:s14+$0x0];
	_ =	sdelay $0x4  }
0x82: {  	v2 =	vadd.f32 v1, v2;
	_ =	sdelay $0x1  }
0x83: {  	[tilespmem:s14+$0x0] =	vst v2;
	s14 =	spop (v2sf)  }
0x84: {  	v2 =	vld [tilespmem:s14+$0x0]  }
.Ltmp1:
0x85: {  	(pc) =	sbr.rel @p0 .LBB2_5-.Ltmp1, $2  }
0x86: {  	_ =	sdelay $0x2  }
0x87: {  	v2 =	vadd.f32 v1, v2  }
0x88: {  	_ = 	snop  }
0x89: {  	s12 =	sshra.s32 s12, $0x2;
	[tilespmem:s14+$0x0] =	vst v2  }
0x8a: {  	v2 =	vld [tilespmem:s12+$0x0];
	_ =	sdelay $0x4  }
0x8b: {  	v2 =	vshll.u32 v2, $0x3  }
0x8c: {  	v2 =	vadd.s32 $0x80, v2  }
0x8d: {  	(v2sf) =	vpush v2, $0x0;
	_ =	sdelay $0x7  }
0x8e: {  	(v2sf) =	vpush v2, $0x1;
	_ =	sdelay $0x6  }
0x8f: {  	s15 =	spop (v2sf)  }
0x90: {  	(v2sf) =	vpush v2, $0x2;
	v3 =	vld [tilespmem:s15+$0x0];
	_ =	sdelay $0x4  }
0x91: {  	v3 =	vadd.f32 v1, v3;
	_ =	sdelay $0x1  }
0x92: {  	s16 =	spop (v2sf);
	[tilespmem:s15+$0x0] =	vst v3  }
0x93: {  	(v2sf) =	vpush v2, $0x3;
	v3 =	vld [tilespmem:s16+$0x0];
	_ =	sdelay $0x4  }
0x94: {  	v3 =	vadd.f32 v1, v3;
	_ =	sdelay $0x1  }
0x95: {  	s17 =	spop (v2sf);
	[tilespmem:s16+$0x0] =	vst v3  }
0x96: {  	(v2sf) =	vpush v2, $0x4;
	v3 =	vld [tilespmem:s17+$0x0];
	_ =	sdelay $0x4  }
0x97: {  	v3 =	vadd.f32 v1, v3;
	_ =	sdelay $0x1  }
0x98: {  	s18 =	spop (v2sf);
	[tilespmem:s17+$0x0] =	vst v3  }
0x99: {  	(v2sf) =	vpush v2, $0x5;
	v3 =	vld [tilespmem:s18+$0x0];
	_ =	sdelay $0x4  }
0x9a: {  	v3 =	vadd.f32 v1, v3;
	_ =	sdelay $0x1  }
0x9b: {  	s19 =	spop (v2sf);
	[tilespmem:s18+$0x0] =	vst v3  }
0x9c: {  	(v2sf) =	vpush v2, $0x6;
	v3 =	vld [tilespmem:s19+$0x0];
	_ =	sdelay $0x4  }
0x9d: {  	v3 =	vadd.f32 v1, v3;
	_ =	sdelay $0x1  }
0x9e: {  	s20 =	spop (v2sf);
	[tilespmem:s19+$0x0] =	vst v3  }
0x9f: {  	(v2sf) =	vpush v2, $0x7;
	v3 =	vld [tilespmem:s20+$0x0];
	_ =	sdelay $0x4  }
0xa0: {  	v3 =	vadd.f32 v1, v3;
	_ =	sdelay $0x1  }
0xa1: {  	s21 =	spop (v2sf);
	[tilespmem:s20+$0x0] =	vst v3  }
0xa2: {  	(v2sf) =	vpush v2, $0x8;
	v3 =	vld [tilespmem:s21+$0x0];
	_ =	sdelay $0x4  }
0xa3: {  	v3 =	vadd.f32 v1, v3;
	_ =	sdelay $0x1  }
0xa4: {  	s22 =	spop (v2sf);
	[tilespmem:s21+$0x0] =	vst v3  }
0xa5: {  	(v2sf) =	vpush v2, $0x9;
	v3 =	vld [tilespmem:s22+$0x0];
	_ =	sdelay $0x4  }
0xa6: {  	v3 =	vadd.f32 v1, v3;
	_ =	sdelay $0x1  }
0xa7: {  	s23 =	spop (v2sf);
	[tilespmem:s22+$0x0] =	vst v3  }
0xa8: {  	(v2sf) =	vpush v2, $0xA;
	v3 =	vld [tilespmem:s23+$0x0];
	_ =	sdelay $0x4  }
0xa9: {  	v3 =	vadd.f32 v1, v3;
	_ =	sdelay $0x1  }
0xaa: {  	s24 =	spop (v2sf);
	[tilespmem:s23+$0x0] =	vst v3  }
0xab: {  	(v2sf) =	vpush v2, $0xB;
	v3 =	vld [tilespmem:s24+$0x0];
	_ =	sdelay $0x4  }
0xac: {  	v3 =	vadd.f32 v1, v3;
	_ =	sdelay $0x1  }
0xad: {  	s25 =	spop (v2sf);
	[tilespmem:s24+$0x0] =	vst v3  }
0xae: {  	(v2sf) =	vpush v2, $0xC;
	v3 =	vld [tilespmem:s25+$0x0];
	_ =	sdelay $0x4  }
0xaf: {  	v3 =	vadd.f32 v1, v3;
	_ =	sdelay $0x1  }
0xb0: {  	s26 =	spop (v2sf);
	[tilespmem:s25+$0x0] =	vst v3  }
0xb1: {  	(v2sf) =	vpush v2, $0xD;
	v3 =	vld [tilespmem:s26+$0x0];
	_ =	sdelay $0x4  }
0xb2: {  	v3 =	vadd.f32 v1, v3;
	_ =	sdelay $0x1  }
0xb3: {  	s28 =	spop (v2sf);
	[tilespmem:s26+$0x0] =	vst v3  }
0xb4: {  	(v2sf) =	vpush v2, $0xE;
	v3 =	vld [tilespmem:s28+$0x0];
	_ =	sdelay $0x4  }
0xb5: {  	v3 =	vadd.f32 v1, v3;
	_ =	sdelay $0x1  }
0xb6: {  	s29 =	spop (v2sf);
	[tilespmem:s28+$0x0] =	vst v3  }
0xb7: {  	(v2sf) =	vpush v2, $0xF;
	v3 =	vld [tilespmem:s29+$0x0];
	_ =	sdelay $0x4  }
0xb8: {  	v2 =	vadd.f32 v1, v3;
	_ =	sdelay $0x1  }
0xb9: {  	s30 =	spop (v2sf);
	[tilespmem:s29+$0x0] =	vst v2  }
0xba: {  	v2 =	vld [tilespmem:s30+$0x0];
	_ =	sdelay $0x4  }
0xbb: {  	v2 =	vadd.f32 v1, v2;
	_ =	sdelay $0x1  }
0xbc: {  	s31 =	spop (v2sf);
	[tilespmem:s30+$0x0] =	vst v2  }
0xbd: {  	v2 =	vld [tilespmem:s31+$0x0]  }
0xbe: {  	s11 =	sadd.s32 $0x1, s11  }
0xbf: {  	p0 =	sne.s32 s11, $0x7D  }
.Ltmp2:
0xc0: {  	_ = 	snop;
	(pc) =	sbr.rel @p0 .LBB2_4-.Ltmp2, $3  }
0xc1: {  	_ = 	snop  }
0xc2: {  	v2 =	vadd.f32 v1, v2;
	_ =	sdelay $0x1  }
0xc3: {  	[tilespmem:s31+$0x0] =	vst v2  }
0xc4: {  	s2 =	sadd.s32 $0x1, s2  }
0xc5: {  	p0 =	sne.s32 s2, s6  }
.Ltmp3:
0xc6: {  	_ = 	snop;
	(pc) =	sbr.rel @p0 .LBB2_1-.Ltmp3, $4  }
0xc7: {  	[hbm4b:s5+s9] =	stream.strided.scatter [tilespmem:s9], [sflag:$0x1], $0x14000, s8, s9, $0x38;
	[tilespmem:$0x14080] =	vst v63  }
0xc8: {  	_ =	swait.ge [sflag:s7], $0x14000  }
0xc9: {  	[sflag:s7] =	ssyncset.done $0x0  }
0xca: {  	[sflag:s7] =	ssyncadd.s32 $0xFFFEC000  }
0xcb: {  	_ =	sfence.sel $0x180000  }
0xcc: {  	[bflag:$0x0] =	sbarrier.arrive $0xFFFF  }
0xcd: {  	p0 =	sne.s32 s0, $0x0;
	_ =	strace $0x90000047  }
0xce: {  	s0 =	sadd.s32 @!p0 $0x100000, s1;
	[bflag:$0x2] =	sbarrier.arrive $0xFFFF  }
0xcf: {  	[sflag:s0] =	ssyncadd.tile.s32 @!p0 $0x1;
	_ =	shalt  }
.Lfunc_end2:
_tile_overlayer_lowered:
.L_overlay_start_2:
0xd0: {  	(tag) =	ssettag $0x2  }
0xd1: {  	s0 =	rddreg [dreg:$0x0];
	s2 =	stileid.u32  }
0xd2: {  	s1 =	rddreg [dreg:$0x1];
	p0 =	sne.s32 s2, $0x0  }
0xd3: {  	s3 =	rddreg [dreg:$0x2];
	[bflag:$0x3] =	sbarrier.arrive $0xFFFF;
	s2 =	simm.s32 @!p0 $0x1C01  }
0xd4: {  	[timem:s3], [sflag:s2] =	dma.local @!p0 [hbm:s0], s1  }
0xd5: {  	s0 =	simm.s32 @!p0 $0x1  }
0xd6: {  	_ =	swait.ge @!p0 [sflag:s0], s1  }
0xd7: {  	s1 =	ssub.s32 @!p0 $0x0, s1;
	[sflag:s0] =	ssyncset.done @!p0 $0x0  }
0xd8: {  	[sflag:s0] =	ssyncadd.s32 @!p0 s1  }
0xd9: {  	[bflag:$0x3] =	sbarrier.arrive $0xFFFF  }
0xda: {  	_ =	shalt  }

// kernel: kernel.9.cloned.1.call-start
scs
__scs_entry_jumppad:
0x0: {  	(pc) =	sbr.rel $0x88, $3  }
0x1: {  	(tag) =	ssettag $0x0;
	lr =	simm.s32 $0x1  }
0x2: {  	[smem:$0x3F98] =	sst lr;
	_ =	strace $0xD0000000  }
0x3: {  	_ = 	snop  }
0x4: {  	_ = 	snop  }
0x5: {  	_ = 	snop  }
0x6: {  	_ = 	snop  }
0x7: {  	_ = 	snop  }
__scs_overlays_trampoline_lowered:
0x8: {  	[smem:$0x3FA7] =	sst s0  }
0x9: {  	[smem:$0x3FA8] =	sst s1  }
0xa: {  	[smem:$0x3FA9] =	sst s2  }
0xb: {  	[smem:$0x3FAA] =	sst s3  }
0xc: {  	[smem:$0x3FAB] =	sst s4  }
0xd: {  	[smem:$0x3FAC] =	sst s5  }
0xe: {  	[smem:$0x3FAD] =	sst s6  }
0xf: {  	[smem:$0x3FAE] =	sst s7  }
0x10: {  	[smem:$0x3FAF] =	sst s8  }
0x11: {  	[smem:$0x3FB0] =	sst s9;
	s0 =	simm.s32 @!p0 $0x0  }
0x12: {  	s1 =	sld [smem:$0x3F96];
	s0 =	simm.s32 @p0 $0x1  }
0x13: {  	[smem:$0x3FB1] =	sst s0;
	s0 =	simm.s32 @!p1 $0x0  }
0x14: {  	s2 =	sld [smem:$0x3F95];
	s0 =	simm.s32 @p1 $0x1  }
0x15: {  	[smem:$0x3FB2] =	sst s0;
	s0 =	simm.s32 @!p2 $0x0  }
0x16: {  	s3 =	sld [smem:$0x3FDB];
	s0 =	simm.s32 @p2 $0x1  }
0x17: {  	s4 =	simm.s32 $0x1BF5;
	[smem:$0x3FB4] =	sst s0  }
0x18: {  	s0 =	sld [smem:$0x3F97];
	_ =	swait.ge [sflag:s4], $0x0  }
0x19: {  	s7 =	sld [smem:$0x3F98]  }
0x1a: {  	s8 =	sadd.s32 $0xFFFFE003, lr  }
0x1b: {  	s9 =	sadd.s32 $0xFFFFFEF7, lr;
	s5 =	simm.s32 $0xFFFFFFFF;
	p2 =	slt.u32 s8, $0xFFFFF086  }
0x1c: {  	p1 =	slt.u32 s9, $0xF7A;
	s5 =	simm.s32 @!p2 $0x0  }
0x1d: {  	s5 =	simm.s32 @p1 $0x1;
	p0 =	seq.s32 s7, s2  }
0x1e: {  	s7 =	smul.u32 @!p0 $0xF7A, s2;
	p2 =	seq.s32 @!p0 s5, $0x0  }
0x1f: {  	s9 =	smul.u32 $0xF7A, s1;
	s8 =	simm.s32 @!p0 $0x1BF5;
	p2 =	por !p2, p0  }
0x20: {  	[sflag:s8] =	ssyncset.s32 @!p0 $0xFFFFF086;
	s6 =	sadd.s32 @!p0 s3, s7;
	s7 =	simm.s32 @!p0 $0x108  }
0x21: {  	s3 =	sadd.s32 s3, s9;
	s6 =	sadd.s32 @!p0 $0x88, s6;
	s7 =	simm.s32 @p2 $0x1082  }
0x22: {  	[simem:s7], [sflag:s8] =	dma.local @!p0 [hbm:s6], $0xF7A  }
0x23: {  	s9 =	sor.u32 $0xD0000000, s2;
	s6 =	simm.s32 $0x108;
	_ =	swait.ge @!p0 [sflag:s8], $0x0  }
0x24: {  	s3 =	sadd.s32 $0x88, s3;
	s6 =	simm.s32 @!p1 $0x1082;
	[sflag:s4] =	ssyncset.s32 $0xFFFFF086  }
0x25: {  	[simem:s6], [sflag:s4] =	dma.local [hbm:s3], $0xF7A  }
0x26: {  	[smem:$0x3F98] =	sst s1;
	(tag) =	ssettag s2;
	_ =	strace s9  }
0x27: {  	s1 =	sld [smem:$0x3FA8]  }
0x28: {  	s2 =	sld [smem:$0x3FA9]  }
0x29: {  	s4 =	sld [smem:$0x3FAB]  }
0x2a: {  	p0 =	seq.s32 s5, $0x0;
	s5 =	sld [smem:$0x3FAC]  }
0x2b: {  	s6 =	sld [smem:$0x3FAD]  }
0x2c: {  	s7 =	sld [smem:$0x3FAE]  }
0x2d: {  	s3 =	simm.s32 $0x108;
	s8 =	sld [smem:$0x3FAF]  }
0x2e: {  	s3 =	simm.s32 @!p0 $0x1082;
	s9 =	sld [smem:$0x3FB0]  }
0x2f: {  	lr =	sadd.s32 s0, s3;
	s0 =	sld [smem:$0x3FA7]  }
0x30: {  	s3 =	sld [smem:$0x3FAA]  }
0x31: {  	[smem:$0x3FB3] =	sst s10  }
0x32: {  	s10 =	sld [smem:$0x3FB1];
	_ =	sdelay $0x3  }
0x33: {  	p0 =	seq.s32 s10, $0x1;
	s10 =	sld [smem:$0x3FB3];
	_ =	sdelay $0x3  }
0x34: {  	[smem:$0x3FB3] =	sst s10  }
0x35: {  	s10 =	sld [smem:$0x3FB2];
	_ =	sdelay $0x3  }
0x36: {  	p1 =	seq.s32 s10, $0x1;
	s10 =	sld [smem:$0x3FB3];
	_ =	sdelay $0x3  }
0x37: {  	[smem:$0x3FB3] =	sst s10  }
0x38: {  	s10 =	sld [smem:$0x3FB4]  }
0x39: {  	_ = 	snop;
	(pc) =	sbr.ind lr, $3  }
0x3a: {  	_ = 	snop  }
0x3b: {  	_ = 	snop  }
0x3c: {  	p2 =	seq.s32 s10, $0x1;
	s10 =	sld [smem:$0x3FB3]  }
0x3d: {  	_ =	shalt  }
0x3e: {  	_ =	shalt  }
0x3f: {  	_ =	shalt  }
0x40: {  	_ =	shalt  }
0x41: {  	_ =	shalt  }
0x42: {  	_ =	shalt  }
0x43: {  	_ =	shalt  }
0x44: {  	_ =	shalt  }
0x45: {  	_ =	shalt  }
0x46: {  	_ =	shalt  }
0x47: {  	_ =	shalt  }
0x48: {  	_ =	shalt  }
0x49: {  	_ =	shalt  }
0x4a: {  	_ =	shalt  }
0x4b: {  	_ =	shalt  }
0x4c: {  	_ =	shalt  }
0x4d: {  	_ =	shalt  }
0x4e: {  	_ =	shalt  }
0x4f: {  	_ =	shalt  }
0x50: {  	_ =	shalt  }
0x51: {  	_ =	shalt  }
0x52: {  	_ =	shalt  }
0x53: {  	_ =	shalt  }
0x54: {  	_ =	shalt  }
0x55: {  	_ =	shalt  }
0x56: {  	_ =	shalt  }
0x57: {  	_ =	shalt  }
0x58: {  	_ =	shalt  }
0x59: {  	_ =	shalt  }
0x5a: {  	_ =	shalt  }
0x5b: {  	_ =	shalt  }
0x5c: {  	_ =	shalt  }
0x5d: {  	_ =	shalt  }
0x5e: {  	_ =	shalt  }
0x5f: {  	_ =	shalt  }
0x60: {  	_ =	shalt  }
0x61: {  	_ =	shalt  }
0x62: {  	_ =	shalt  }
0x63: {  	_ =	shalt  }
0x64: {  	_ =	shalt  }
0x65: {  	_ =	shalt  }
0x66: {  	_ =	shalt  }
0x67: {  	_ =	shalt  }
0x68: {  	_ =	shalt  }
0x69: {  	_ =	shalt  }
0x6a: {  	_ =	shalt  }
0x6b: {  	_ =	shalt  }
0x6c: {  	_ =	shalt  }
0x6d: {  	_ =	shalt  }
0x6e: {  	_ =	shalt  }
0x6f: {  	_ =	shalt  }
0x70: {  	_ =	shalt  }
0x71: {  	_ =	shalt  }
0x72: {  	_ =	shalt  }
0x73: {  	_ =	shalt  }
0x74: {  	_ =	shalt  }
0x75: {  	_ =	shalt  }
0x76: {  	_ =	shalt  }
0x77: {  	_ =	shalt  }
0x78: {  	_ =	shalt  }
0x79: {  	_ =	shalt  }
0x7a: {  	_ =	shalt  }
0x7b: {  	_ =	shalt  }
0x7c: {  	_ =	shalt  }
0x7d: {  	_ =	shalt  }
0x7e: {  	_ =	shalt  }
0x7f: {  	_ =	shalt  }
0x80: {  	_ =	shalt  }
0x81: {  	_ =	shalt  }
0x82: {  	_ =	shalt  }
0x83: {  	_ =	shalt  }
0x84: {  	_ =	shalt  }
0x85: {  	_ =	shalt  }
0x86: {  	_ =	shalt  }
0x87: {  	_ =	shalt  }
.Lfunc_end0:
.L_simem_size_0:
called_computation.1_lowered:
.L_overlay_start_0:
0x88: {  	s2 =	sld [smem:$0x3FD9]  }
0x89: {  	s3 =	sld [smem:$0x3FFE];
	_ =	sdelay $0x1  }
0x8a: {  	s1 =	srdreg.scid  }
0x8b: {  	s0 =	sand.u32 $0x1, s1  }
0x8c: {  	s17 =	sshll.u32 s0, $0xA;
	s2 =	sadd.s32 s3, s2  }
0x8d: {  	s2 =	sadd.s32 s2, s17  }
0x8e: {  	[smem:$0x3FBF] =	sst s2  }
0x8f: {  	_ = 	snop  }
0x90: {  	s2 =	sld [smem:$0x3FD0];
	(tm) =	ssettm $0x1  }
0x91: {  	s18 =	sld [smem:$0x3FFB];
	_ =	sdelay $0x3  }
0x92: {  	_ =	strace s18  }
0x93: {  	s3 =	sld [smem:$0x3FFC];
	_ =	sdelay $0x3  }
0x94: {  	_ =	strace s3  }
0x95: {  	s3 =	sld [smem:$0x3FFD];
	_ =	sdelay $0x3  }
0x96: {  	_ =	strace s3  }
0x97: {  	_ =	strace $0x8FFFFFFF  }
0x98: {  	s19 =	sld [smem:$0x3FDB];
	_ =	sdelay $0x1  }
0x99: {  	s4 =	simm.s32 $_scs_section_size  }
0x9a: {  	s5 =	simm.s32 $_size__tile_overlayer_lowered;
	s6 =	simm.s32 $_tile_overlayer_lowered  }
0x9b: {  	s22 =	simm.s32 $0x1BFF;
	s21 =	sshll.u32 s6, $0x1;
	s3 =	sadd.s32 s4, s19  }
0x9c: {  	s7 =	simm.s32 $0x0;
	s20 =	sshll.u32 s5, $0x1;
	s5 =	sadd.s32 s21, s3  }
0x9d: {  	[timem:s7], [sflag:s22] =	dma.local [hbm:s5], s20  }
0x9e: {  	_ =	swait.ge [sflag:s22], s20  }
0x9f: {  	s4 =	ssub.s32 $0x0, s20;
	[sflag:s22] =	ssyncset.done $0x0  }
0xa0: {  	[sflag:s22] =	ssyncadd.s32 s4;
	_ =	sdelay $0x1  }
0xa1: {  	s23 =	simm.s32 $0x1B8B  }
0xa2: {  	_ =	swait.ge [sflag:s23], $0x1  }
0xa3: {  	[sflag:s23] =	ssyncset.done $0x0  }
0xa4: {  	s25 =	simm.s32 $0x1B8E;
	s24 =	sld [smem:$0x3FFE];
	[sflag:s23] =	ssyncadd.s32 $0xFFFFFFFF  }
0xa5: {  	s26 =	simm.s32 $execute0_lowered;
	[smem:$0x3FD2] =	sst s25  }
0xa6: {  	s5 =	sshll.u32 s26, $0x1;
	_ =	strace $0x80000049;
	[dreg:$0x1] =	wrdreg $0xFFFFFFFF  }
0xa7: {  	s28 =	simm.s32 $_size_execute0_lowered;
	s3 =	sadd.s32 s3, s5;
	[dreg:$0x0] =	wrdreg $0x0  }
0xa8: {  	s5 =	sshll.u32 s28, $0x1;
	[dreg:$0x2] =	wrdreg s3  }
0xa9: {  	[dreg:$0x3] =	wrdreg s5  }
0xaa: {  	[dreg:$0x4] =	wrdreg $0xC0  }
0xab: {  	_ =	task [dreg:s7], $0x5FFFF  }
0xac: {  	[dreg:$0x1] =	wrdreg $0xFFFFFFFF  }
0xad: {  	[dreg:$0x0] =	wrdreg $0x60  }
0xae: {  	[dreg:$0x2] =	wrdreg s24  }
0xaf: {  	[dreg:$0x3] =	wrdreg s2  }
0xb0: {  	[dreg:$0x4] =	wrdreg $0xA3000  }
0xb1: {  	[dreg:$0x5] =	wrdreg $0x9  }
0xb2: {  	_ =	task.clear_ibuf [dreg:s7], $0x6FFFF;
	_ =	strace $0x90000049  }
0xb3: {  	s29 =	simm.s32 $0x9;
	_ =	strace $0x8000004B  }
0xb4: {  	_ =	swait.ge [sflag:s29], $0x1  }
0xb5: {  	[sflag:s29] =	ssyncadd.s32 $0xFFFFFFFF  }
0xb6: {  	_ =	strace $0x9000004B  }
0xb7: {  	_ =	sfence  }
0xb8: {  	s30 =	sld [smem:$0x0];
	_ =	sdelay $0x2  }
0xb9: {  	s31 =	sshll.u32 s1, $0xD;
	s1 =	sshrl.u32 s1, $0x2  }
0xba: {  	s3 =	sand.u32 $0x4000, s31;
	s1 =	sadd.s32 s1, s30  }
0xbb: {  	s0 =	sor.u32 s3, s0;
	s1 =	sshll.u32 s1, $0x11  }
0xbc: {  	s0 =	sor.u32 s1, s0  }
0xbd: {  	s0 =	sadd.s32 $0x8F2B, s0  }
0xbe: {  	[sflag:s0] =	ssyncadd.remote.s32 $0x1  }
0xbf: {  	_ =	sfence.sel $0xFFFF  }
0xc0: {  	[dreg:$0x0] =	wrdreg $0xFFFFFFFF;
	(pc) =	sbr.abs _section_cstart, $3  }
0xc1: {  	[dreg:$0x1] =	wrdreg $0xFFFFFFFF  }
0xc2: {  	_ =	task.clear_ibuf [dreg:s7], $0x2FFFF;
	_ =	strace $0x9FFFFFFF  }
0xc3: {  	(tm) =	ssettm $0x7FFFFFFF  }
tec
execute0_lowered:
.L_overlay_start_1:
0x0: {  	(tag) =	ssettag $0x1  }
0x1: {  	s0 =	rddreg [dreg:$0x0]  }
0x2: {  	s1 =	rddreg [dreg:$0x1]  }
0x3: {  	s2 =	rddreg [dreg:$0x2]  }
0x4: {  	s3 =	srdreg.scid;
	s5 =	simm.s32 $0x0;
	s17 =	stileid.u32  }
0x5: {  	s28 =	simm.s32 $0x7900;
	s29 =	simm.s32 $0x4;
	s31 =	simm.s32 $0x80  }
0x6: {  	s30 =	simm.s32 $0x100;
	s3 =	sand.u32 $0x1, s3;
	s6 =	smul.u32 $0x14000, s17  }
0x7: {  	[smem:$0x7FF] =	sst s5;
	s5 =	sadd.s32 $0xBC00, s0;
	s24 =	smul.u32 $0x50000, s17  }
0x8: {  	s8 =	sadd.s32 $0x65C00, s0;
	s4 =	smul.u32 $0x140000, s3;
	s7 =	ssub.s32 $0x2, s3  }
0x9: {  	_ =	strace $0x8000004A;
	s3 =	sshll.u32 s3, $0x4;
	s9 =	sshrl.u32 s7, $0x1  }
0xa: {  	s25 =	sor.u32 $0x2800, s6;
	s11 =	sadd.s32 $0x5000, s6;
	s12 =	sadd.s32 $0x7800, s6  }
0xb: {  	s16 =	sadd.s32 $0xA000, s6;
	s18 =	sadd.s32 $0xC800, s6;
	s19 =	sadd.s32 $0xF000, s6  }
0xc: {  	s3 =	sor.u32 s17, s3;
	s10 =	sadd.s32 s4, s6;
	s7 =	ssub.s32 s7, s9  }
0xd: {  	s13 =	sadd.s32 s4, s25;
	s6 =	sadd.s32 $0x11800, s6;
	s26 =	sadd.s32 s4, s11  }
0xe: {  	s14 =	sadd.s32 s4, s12;
	s15 =	sadd.s32 s4, s16;
	s20 =	sadd.s32 s4, s18  }
0xf: {  	s21 =	sadd.s32 s4, s19;
	s17 =	smul.u32 $0x2710, s3;
	s25 =	sadd.s32 s25, s2  }
0x10: {  	s3 =	simm.s32 $0x2900;
	s23 =	sshrl.u32 s10, $0x3;
	s13 =	sshrl.u32 s13, $0x3  }
0x11: {  	s14 =	sshrl.u32 s14, $0x3;
	s15 =	sshrl.u32 s15, $0x3;
	s4 =	sadd.s32 s4, s6  }
0x12: {  	[dreg:$0xe] =	wrdreg s25;
	s25 =	sadd.s32 s19, s2;
	s9 =	sadd.s32 s8, s23  }
0x13: {  	s13 =	sadd.s32 s8, s13;
	s14 =	sadd.s32 s8, s14;
	[dreg:$0x4] =	wrdreg s9  }
0x14: {  	s15 =	sadd.s32 s8, s15;
	s4 =	sshrl.u32 s4, $0x3;
	[dreg:$0x5] =	wrdreg s13  }
0x15: {  	v0 =	vimm.s32 $0xFEDCBA9;
	s23 =	sshrl.u32 s24, $0x2;
	s24 =	smax.u32 s7, $0x1;
	[dreg:$0x7] =	wrdreg s14  }
0x16: {  	v1 =	vimm.s32 $0x87654321;
	v2 =	vimm.s32 $0x10FEDCBA;
	v3 =	vimm.s32 $0x98765432;
	s7 =	simm.s32 $0x2;
	s13 =	sshrl.u32 s26, $0x3;
	[dreg:$0x8] =	wrdreg s15  }
0x17: {  	v4 =	vimm.s32 $0x3210FEDC;
	v5 =	vimm.s32 $0xFEDCBA98;
	s14 =	sshrl.u32 s21, $0x3;
	s4 =	sadd.s32 s8, s4;
	s15 =	sadd.s32 $0x3DA00, s0  }
0x18: {  	v6 =	vimm.s32 $0xBA987654;
	v7 =	vimm.s32 $0x76543210;
	v0 =	vunpack.c.l.s4.s8 v0;
	[dreg:$0xd] =	wrdreg s24;
	s26 =	sadd.s32 s11, s2;
	s24 =	sadd.s32 s18, s2  }
0x19: {  	v1 =	vunpack.c.l.s4.s8 v1;
	v2 =	vunpack.c.l.s4.s8 v2;
	v3 =	vunpack.c.l.s4.s8 v3;
	s9 =	simm.s32 $0x0;
	s13 =	sadd.s32 s8, s13;
	[dreg:$0xb] =	wrdreg s4  }
0x1a: {  	v5 =	vunpack.c.l.s4.s8 v5;
	v4 =	vunpack.c.l.s4.s8 v4;
	v6 =	vunpack.c.l.s4.s8 v6;
	s22 =	sadd.s32 s8, s14;
	s14 =	sadd.s32 $0x1E00, s0;
	[dreg:$0xf] =	wrdreg s26  }
0x1b: {  	v7 =	vunpack.c.l.s4.s8 v7;
	v0 =	vunpack.c.0.s8.s32 v0;
	v1 =	vunpack.c.0.s8.s32 v1;
	s0 =	sadd.s32 $0x65A00, s0;
	s26 =	sadd.s32 s6, s2;
	[dreg:$0x6] =	wrdreg s13  }
0x1c: {  	v2 =	vunpack.c.0.s8.s32 v2;
	v3 =	vunpack.c.0.s8.s32 v3;
	v5 =	vunpack.c.0.s8.s32 v5;
	s4 =	simm.s32 $0x5100;
	s6 =	simm.s32 $0x1;
	[dreg:$0xa] =	wrdreg s22  }
0x1d: {  	v4 =	vunpack.c.0.s8.s32 v4;
	v6 =	vunpack.c.0.s8.s32 v6;
	v7 =	vunpack.c.0.s8.s32 v7;
	s13 =	sshrl.u32 s20, $0x3;
	[dreg:$0xc] =	wrdreg s0;
	s20 =	sadd.s32 s23, s2  }
0x1e: {  	v0 =	vcombine.low v1, v0;
	v1 =	vcombine.low v3, v2;
	v5 =	vand.u32 $0xF, v5;
	s22 =	sadd.s32 s12, s2;
	s23 =	sadd.s32 s16, s2;
	s13 =	sadd.s32 s8, s13  }
0x1f: {  	v2 =	vcombine.low v6, v4;
	v3 =	vimm.f32 $0.0e+00;
	v4 =	vcombine.low v5, v7;
	s0 =	simm.s32 $0x50;
	s8 =	simm.s32 $0x3;
	[dreg:$0x9] =	wrdreg s13  }
.LBB2_1:
0x20: {  	s11 =	simm.s32 $0x0  }
0x21: {  	s10 =	sand.u32 $0xFE00, s11  }
0x22: {  	s11 =	sand.u32 $0x70, s11;
	s12 =	sshrl.u32 s10, $0x2  }
0x23: {  	s10 =	simm.s32 $0x40;
	s12 =	sor.u32 s11, s12;
	s11 =	simm.s32 $0x0  }
.LBB2_2:
0x24: {  	p0 =	sne.s32 s10, $0x9FC0  }
0x25: {  	[tilespmem:s12+$0x7900] =	vst v3;
	s11 =	sadd.s32 $0x10, s11;
	s12 =	smov.u32 s10;
	s10 =	sadd.s32 $0x40, s10  }
.Ltmp0:
0x26: {  	(pc) =	sbr.rel @p0 .LBB2_2-.Ltmp0, $4  }
0x27: {  	_ = 	snop  }
0x28: {  	s12 =	sand.u32 $0xFE00, s12  }
0x29: {  	s13 =	sand.u32 $0x70, s11;
	s12 =	sshrl.u32 s12, $0x2  }
0x2a: {  	s12 =	sor.u32 s13, s12  }
0x2b: {  	[tilespmem:s12+$0x7900] =	vst v3  }
0x2c: {  	[spmem:s20] =	stream.linear.scatter [tilespmem:s28], [sflag:$0x4], $0x2800, $0x38;
	[tilespmem:$0x1E300] =	vst v63  }
0x2d: {  	_ =	swait.ge [sflag:s29], $0x2800  }
0x2e: {  	[sflag:s29] =	ssyncset.done $0x0  }
0x2f: {  	s10 =	rddreg [dreg:$0xe];
	[sflag:s29] =	ssyncadd.s32 $0xFFFFD800  }
0x30: {  	[spmem:s10] =	stream.linear.scatter [tilespmem:s28], [sflag:$0x4], $0x2800, $0x38;
	[tilespmem:$0x1E300] =	vst v63  }
0x31: {  	_ =	swait.ge [sflag:s29], $0x2800  }
0x32: {  	[sflag:s29] =	ssyncset.done $0x0  }
0x33: {  	s19 =	rddreg [dreg:$0xf];
	[sflag:s29] =	ssyncadd.s32 $0xFFFFD800  }
0x34: {  	[spmem:s19] =	stream.linear.scatter [tilespmem:s28], [sflag:$0x4], $0x2800, $0x38;
	[tilespmem:$0x1E300] =	vst v63  }
0x35: {  	_ =	swait.ge [sflag:s29], $0x2800  }
0x36: {  	[sflag:s29] =	ssyncset.done $0x0  }
0x37: {  	[sflag:s29] =	ssyncadd.s32 $0xFFFFD800  }
0x38: {  	[spmem:s22] =	stream.linear.scatter [tilespmem:s28], [sflag:$0x4], $0x2800, $0x38;
	[tilespmem:$0x1E300] =	vst v63  }
0x39: {  	_ =	swait.ge [sflag:s29], $0x2800  }
0x3a: {  	[sflag:s29] =	ssyncset.done $0x0  }
0x3b: {  	[sflag:s29] =	ssyncadd.s32 $0xFFFFD800  }
0x3c: {  	[spmem:s23] =	stream.linear.scatter [tilespmem:s28], [sflag:$0x4], $0x2800, $0x38;
	[tilespmem:$0x1E300] =	vst v63  }
0x3d: {  	_ =	swait.ge [sflag:s29], $0x2800  }
0x3e: {  	[sflag:s29] =	ssyncset.done $0x0  }
0x3f: {  	[sflag:s29] =	ssyncadd.s32 $0xFFFFD800  }
0x40: {  	[spmem:s24] =	stream.linear.scatter [tilespmem:s28], [sflag:$0x4], $0x2800, $0x38;
	[tilespmem:$0x1E300] =	vst v63  }
0x41: {  	_ =	swait.ge [sflag:s29], $0x2800  }
0x42: {  	[sflag:s29] =	ssyncset.done $0x0  }
0x43: {  	[sflag:s29] =	ssyncadd.s32 $0xFFFFD800  }
0x44: {  	[spmem:s25] =	stream.linear.scatter [tilespmem:s28], [sflag:$0x4], $0x2800, $0x38;
	[tilespmem:$0x1E300] =	vst v63  }
0x45: {  	_ =	swait.ge [sflag:s29], $0x2800  }
0x46: {  	[sflag:s29] =	ssyncset.done $0x0  }
0x47: {  	[sflag:s29] =	ssyncadd.s32 $0xFFFFD800  }
0x48: {  	[spmem:s26] =	stream.linear.scatter [tilespmem:s28], [sflag:$0x4], $0x2800, $0x38;
	[tilespmem:$0x1E300] =	vst v63  }
0x49: {  	_ =	swait.ge [sflag:s29], $0x2800  }
0x4a: {  	s21 =	smov.u32 s20;
	s20 =	simm.s32 $0xA100;
	[sflag:s29] =	ssyncset.done $0x0  }
0x4b: {  	s10 =	simm.s32 $0x0;
	s11 =	rddreg [dreg:$0xc];
	[sflag:s29] =	ssyncadd.s32 $0xFFFFD800  }
0x4c: {  	[tilespmem:s20], [sflag:$0x4] =	stream.linear.gather [hbm4b:s11+s10], $0x200, $0x38;
	[tilespmem:$0x1E300] =	vst v63  }
0x4d: {  	_ =	swait.ge [sflag:s29], $0x200  }
0x4e: {  	[sflag:s29] =	ssyncset.done $0x0  }
0x4f: {  	[sflag:s29] =	ssyncadd.s32 $0xFFFFFE00  }
0x50: {  	[bflag:$0x0] =	sbarrier.arrive $0xFFFF  }
0x51: {  	v5 =	vld [tilespmem:$0xA100]  }
0x52: {  	v6 =	vld [tilespmem:$0xA110]  }
0x53: {  	v7 =	vld [tilespmem:$0xA120]  }
0x54: {  	v8 =	vld [tilespmem:$0xA130]  }
0x55: {  	v9 =	vld [tilespmem:$0xA180]  }
0x56: {  	v10 =	vld [tilespmem:$0xA190]  }
0x57: {  	v11 =	vld [tilespmem:$0xA1A0]  }
0x58: {  	v12 =	vld [tilespmem:$0xA1B0]  }
0x59: {  	s11 =	simm.s32 $0x0;
	v13 =	vld [tilespmem:$0xA200]  }
.LBB2_4:
0x5a: {  	s12 =	smul.u32 $0x50, s11;
	_ =	sdelay $0x1  }
0x5b: {  	s12 =	sadd.s32 s17, s12  }
0x5c: {  	s12 =	sshrl.u32 s12, $0x3  }
0x5d: {  	s13 =	sadd.s32 s5, s12  }
0x5e: {  	[tilespmem:s10], [sflag:$0x4] =	stream.linear.gather [hbm4b:s13+s10], $0x50, $0x38;
	[tilespmem:$0x1E300] =	vst v63  }
0x5f: {  	_ =	swait.ge [sflag:s29], $0x50  }
0x60: {  	[sflag:s29] =	ssyncset.done $0x0  }
0x61: {  	s12 =	sadd.s32 s14, s12;
	[sflag:s29] =	ssyncadd.s32 $0xFFFFFFB0  }
0x62: {  	[tilespmem:s31], [sflag:$0x4] =	stream.linear.gather [hbm4b:s12+s10], $0x50, $0x38;
	[tilespmem:$0x1E300] =	vst v63  }
0x63: {  	_ =	swait.ge [sflag:s29], $0x50  }
0x64: {  	[sflag:s29] =	ssyncset.done $0x0  }
0x65: {  	[sflag:s29] =	ssyncadd.s32 $0xFFFFFFB0  }
0x66: {  	[tilespmem:s30], [sflag:$0x1] =	stream.indirect.gather [hbm4b:s1+s0], $0x80, s31, s0, $0xb8;
	[tilespmem:$0x1E300] =	vst v63  }
0x67: {  	_ = 	snop  }
0x68: {  	[tilespmem:s3], [sflag:$0x2] =	stream.indirect.gather [hbm4b:s1+s0], $0x80, s10, s0, $0xb8;
	[tilespmem:$0x1E300] =	vst v63  }
0x69: {  	_ = 	snop  }
0x6a: {  	[tilespmem:s4], [sflag:$0x3] =	stream.indirect.gather [hbm4b:s15+s0], $0x80, s10, s0, $0xb8;
	[tilespmem:$0x1E300] =	vst v63  }
0x6b: {  	_ =	swait.ge [sflag:s6], $0x2800  }
0x6c: {  	[sflag:s6] =	ssyncset.done $0x0  }
0x6d: {  	[sflag:s6] =	ssyncadd.s32 $0xFFFFD800  }
0x6e: {  	_ =	swait.ge [sflag:s7], $0x2800  }
0x6f: {  	[sflag:s7] =	ssyncset.done $0x0  }
0x70: {  	[sflag:s7] =	ssyncadd.s32 $0xFFFFD800  }
0x71: {  	_ =	swait.ge [sflag:s8], $0x2800  }
0x72: {  	[sflag:s8] =	ssyncset.done $0x0  }
0x73: {  	s16 =	simm.s32 $0x0;
	[sflag:s8] =	ssyncadd.s32 $0xFFFFD800  }
0x74: {  	v14 =	vld [tilespmem:s16+$0x100]  }
0x75: {  	v15 =	vld [tilespmem:s16+$0x2940]  }
0x76: {  	v16 =	vld [tilespmem:s16+$0x110]  }
0x77: {  	v17 =	vld [tilespmem:s16+$0x2950]  }
0x78: {  	v18 =	vld [tilespmem:s16+$0x120]  }
0x79: {  	v19 =	vld [tilespmem:s16+$0x2960]  }
0x7a: {  	v20 =	vld [tilespmem:s16+$0x2970];
	v14 =	vadd.f32 v15, v14  }
0x7b: {  	v15 =	vld [tilespmem:s16+$0x130]  }
0x7c: {  	v16 =	vadd.f32 v17, v16;
	v14 =	vadd.f32 v14, v5;
	_ =	sdelay $0x1  }
0x7d: {  	v17 =	vadd.f32 v19, v18;
	v16 =	vadd.f32 v16, v6;
	v14 =	vmax.f32 v14, $0.0e+00  }
0x7e: {  	v14 =	vmul.f32 v14, v9  }
0x7f: {  	v17 =	vadd.f32 v17, v7;
	v16 =	vmax.f32 v16, $0.0e+00;
	v15 =	vadd.f32 v20, v15  }
0x80: {  	v16 =	vmul.f32 v16, v10;
	v14 =	vadd.f32 v14, v13  }
0x81: {  	v17 =	vmax.f32 v17, $0.0e+00;
	v15 =	vadd.f32 v15, v8  }
0x82: {  	v14 =	vadd.f32 v16, v14;
	v16 =	vmul.f32 v17, v11  }
0x83: {  	v15 =	vmax.f32 v15, $0.0e+00  }
0x84: {  	v15 =	vmul.f32 v15, v12;
	v14 =	vadd.f32 v16, v14;
	_ =	sdelay $0x1  }
0x85: {  	v14 =	vadd.f32 v15, v14;
	_ =	sdelay $0x1  }
0x86: {  	s12 =	simm.s32 $0x80;
	v15 =	vperm.xlane v14, v0  }
0x87: {  	v18 =	vld [tilespmem:s12+$0x2950]  }
0x88: {  	v16 =	vld [tilespmem:s12+$0x100];
	v14 =	vadd.f32 v14, v15  }
0x89: {  	v15 =	vld [tilespmem:s12+$0x2940]  }
0x8a: {  	v17 =	vld [tilespmem:s12+$0x110];
	v19 =	vperm.xlane v14, v1;
	_ =	sdelay $0x1  }
0x8b: {  	v20 =	vld [tilespmem:s12+$0x120];
	v14 =	vadd.f32 v14, v19  }
0x8c: {  	v19 =	vld [tilespmem:s12+$0x2960]  }
0x8d: {  	v15 =	vadd.f32 v15, v16;
	v16 =	vperm.xlane v14, v2  }
0x8e: {  	v21 =	vld [tilespmem:s12+$0x130];
	v17 =	vadd.f32 v18, v17  }
0x8f: {  	v18 =	vld [tilespmem:s12+$0x2970];
	v15 =	vadd.f32 v15, v5;
	v14 =	vadd.f32 v14, v16  }
0x90: {  	v16 =	vadd.f32 v17, v6  }
0x91: {  	v17 =	vadd.f32 v19, v20;
	v15 =	vmax.f32 v15, $0.0e+00;
	v19 =	vperm.xlane v14, v4  }
0x92: {  	v15 =	vmul.f32 v15, v9  }
0x93: {  	v16 =	vmax.f32 v16, $0.0e+00;
	v17 =	vadd.f32 v17, v7;
	v30 =	vadd.f32 v14, v19  }
0x94: {  	v16 =	vmul.f32 v16, v10;
	v14 =	vadd.f32 v18, v21;
	v15 =	vadd.f32 v15, v13  }
0x95: {  	v17 =	vmax.f32 v17, $0.0e+00;
	v18 =	vmul.f32 v30, v30  }
0x96: {  	v14 =	vadd.f32 v14, v8;
	v15 =	vadd.f32 v16, v15;
	v16 =	vmul.f32 v17, v11  }
0x97: {  	v17 =	vadd.f32 $1.000000000e+00, v18  }
0x98: {  	v14 =	vmax.f32 v14, $0.0e+00;
	v15 =	vadd.f32 v16, v15  }
0x99: {  	v14 =	vmul.f32 v14, v12;
	v16 =	vshra.s32 v17, $0x1;
	v17 =	vmul.f32 $5.000000000e-01, v17  }
0x9a: {  	v16 =	vsub.s32 $0x5F3759DF, v16  }
0x9b: {  	v35 =	vld [tilespmem:s16+$0x5100];
	v14 =	vadd.f32 v14, v15;
	v15 =	vmul.f32 v16, v17  }
0x9c: {  	v37 =	vld [tilespmem:s16+$0x5140]  }
0x9d: {  	s13 =	simm.s32 $0x100;
	v38 =	vld [tilespmem:s16+$0x5110];
	v18 =	vperm.xlane v14, v0;
	v15 =	vmul.f32 v16, v15  }
0x9e: {  	v19 =	vld [tilespmem:s13+$0x100]  }
0x9f: {  	v14 =	vadd.f32 v14, v18;
	v18 =	vld [tilespmem:s13+$0x2940];
	v15 =	vsub.f32 $1.500000000e+00, v15  }
0xa0: {  	v20 =	vld [tilespmem:s13+$0x110]  }
0xa1: {  	v21 =	vld [tilespmem:s13+$0x2950];
	v22 =	vperm.xlane v14, v1;
	v15 =	vmul.f32 v16, v15  }
0xa2: {  	v23 =	vld [tilespmem:s13+$0x2960]  }
0xa3: {  	v16 =	vld [tilespmem:s13+$0x120];
	v14 =	vadd.f32 v14, v22;
	v22 =	vmul.f32 v15, v17  }
0xa4: {  	v24 =	vld [tilespmem:s13+$0x130];
	v18 =	vadd.f32 v18, v19  }
0xa5: {  	v26 =	vld [tilespmem:s13+$0x2970];
	v19 =	vperm.xlane v14, v2;
	v22 =	vmul.f32 v22, v15  }
0xa6: {  	v25 =	vld [tilespmem:s16+$0x5150];
	v20 =	vadd.f32 v21, v20;
	v18 =	vadd.f32 v18, v5  }
0xa7: {  	v29 =	vld [tilespmem:s16+$0x5120];
	v14 =	vadd.f32 v14, v19;
	v21 =	vsub.f32 $1.500000000e+00, v22  }
0xa8: {  	v28 =	vld [tilespmem:s16+$0x5160];
	v16 =	vadd.f32 v23, v16;
	v22 =	vadd.f32 v20, v6  }
0xa9: {  	s18 =	simm.s32 $0x180;
	v34 =	vld [tilespmem:s16+$0x5130];
	v18 =	vmax.f32 v18, $0.0e+00;
	v27 =	vperm.xlane v14, v4;
	v31 =	vmul.f32 v21, v15  }
0xaa: {  	v43 =	vld [tilespmem:s18+$0x100];
	v16 =	vadd.f32 v16, v7;
	v15 =	vmul.f32 v18, v9;
	v18 =	vadd.f32 v26, v24  }
0xab: {  	v46 =	vld [tilespmem:s18+$0x2940];
	v22 =	vmax.f32 v22, $0.0e+00;
	v27 =	vadd.f32 v14, v27;
	v14 =	vmul.f32 v31, v17  }
0xac: {  	v19 =	vld [tilespmem:s12+$0x5100];
	v16 =	vmax.f32 v16, $0.0e+00;
	v15 =	vadd.f32 v15, v13;
	v17 =	vmul.f32 v22, v10  }
0xad: {  	v23 =	vld [tilespmem:s12+$0x5140];
	v18 =	vadd.f32 v18, v8;
	v24 =	vmul.f32 v27, v27;
	v32 =	vmul.f32 v14, v31  }
0xae: {  	v20 =	vld [tilespmem:s12+$0x5110];
	v16 =	vmul.f32 v16, v11;
	v17 =	vadd.f32 v17, v15  }
0xaf: {  	v21 =	vld [tilespmem:s12+$0x5150];
	v18 =	vmax.f32 v18, $0.0e+00;
	v24 =	vadd.f32 $1.000000000e+00, v24;
	v32 =	vsub.f32 $1.500000000e+00, v32  }
0xb0: {  	v26 =	vld [tilespmem:s12+$0x5120];
	v18 =	vmul.f32 v18, v12;
	v17 =	vadd.f32 v16, v17  }
0xb1: {  	v16 =	vshra.s32 v24, $0x1;
	v33 =	vmul.f32 $5.000000000e-01, v24;
	v31 =	vmul.f32 v32, v31;
	v32 =	vld [tilespmem:s16+$0x5170]  }
0xb2: {  	v22 =	vld [tilespmem:s12+$0x5160];
	v41 =	vsub.s32 $0x5F3759DF, v16  }
0xb3: {  	v14 =	vld [tilespmem:s13+$0x5100];
	v36 =	vadd.f32 v18, v17;
	v40 =	vmul.f32 v41, v33;
	v42 =	vsub.f32 $0.0e+00, v31  }
0xb4: {  	vm0 =	veq.f32 v30, $0.0e+00;
	v15 =	vld [tilespmem:s13+$0x5140];
	v39 =	vmul.f32 v31, v30;
	v30 =	vmul.f32 v31, v37  }
0xb5: {  	v24 =	vld [tilespmem:s13+$0x5110];
	v44 =	vperm.xlane v36, v0;
	v45 =	vmul.f32 v41, v40;
	v47 =	vsel vm0, v31, v42  }
0xb6: {  	v16 =	vld [tilespmem:s13+$0x5150];
	v48 =	vmul.f32 v47, v34;
	v49 =	vmul.f32 v39, v32  }
0xb7: {  	v18 =	vld [tilespmem:s13+$0x5120];
	v42 =	vadd.f32 v36, v44;
	v37 =	vmul.f32 v39, v37;
	v44 =	vmul.f32 v39, v25  }
0xb8: {  	v17 =	vld [tilespmem:s13+$0x5160];
	v62 =	vmul.f32 v47, v35;
	v50 =	vsub.f32 $1.500000000e+00, v45;
	v63 =	vsub.f32 v48, v49  }
0xb9: {  	v40 =	vmul.f32 v47, v38;
	v36 =	vmul.f32 v47, v29;
	v45 =	vld [tilespmem:s18+$0x110]  }
0xba: {  	v48 =	vld [tilespmem:s18+$0x2950];
	v49 =	vperm.xlane v42, v1;
	v41 =	vmul.f32 v41, v50;
	[tilespmem:s16+$0x7930] =	vst v63  }
0xbb: {  	s19 =	simm.s32 $0x800;
	v35 =	vmul.f32 v39, v35;
	v50 =	vsub.f32 v62, v37;
	v37 =	vmul.f32 v39, v38;
	v47 =	vld [tilespmem:s18+$0x120]  }
.LBB2_5:
0xbc: {  	p0 =	sne.s32 s19, $0x9E00;
	v51 =	vld [tilespmem:s18+$0x2960];
	v42 =	vadd.f32 v42, v49;
	v49 =	vmul.f32 v41, v33;
	v52 =	vmul.f32 v39, v28;
	v38 =	vmovc v24  }
0xbd: {  	v24 =	vadd.f32 v46, v43;
	v43 =	vld [tilespmem:s18+$0x130];
	[tilespmem:s16+$0x7900] =	vst v50;
	v46 =	vmul.f32 v39, v29;
	v50 =	vmul.f32 v39, v34  }
0xbe: {  	v40 =	vsub.f32 v40, v44;
	v29 =	vmovc v26;
	v34 =	vld [tilespmem:s18+$0x2970];
	v39 =	vperm.xlane v42, v2;
	v49 =	vmul.f32 v49, v41  }
0xbf: {  	v44 =	vadd.f32 v24, v5;
	v24 =	vadd.f32 v48, v45;
	v48 =	vld [tilespmem:s18+$0x5100];
	v45 =	vmul.f32 v31, v25;
	v25 =	vmovc v21  }
0xc0: {  	v21 =	vmovc v16;
	v53 =	vld [tilespmem:s18+$0x5140];
	v39 =	vadd.f32 v42, v39;
	v42 =	vsub.f32 $1.500000000e+00, v49;
	[tilespmem:s16+$0x7910] =	vst v40;
	v40 =	vmul.f32 v31, v28  }
0xc1: {  	v26 =	vmovc v18;
	v49 =	vadd.f32 v24, v6;
	v47 =	vadd.f32 v51, v47;
	v24 =	vld [tilespmem:s18+$0x5110];
	v51 =	vmul.f32 v31, v32  }
0xc2: {  	v28 =	vmovc v22;
	v22 =	vmovc v17;
	v18 =	vmax.f32 v44, $0.0e+00;
	v16 =	vld [tilespmem:s18+$0x5150];
	v31 =	vperm.xlane v39, v4;
	v32 =	vmul.f32 v42, v41  }
0xc3: {  	v41 =	vmul.f32 v18, v9;
	v42 =	vadd.f32 v47, v7;
	v34 =	vadd.f32 v34, v43;
	v18 =	vld [tilespmem:s18+$0x5120]  }
0xc4: {  	v43 =	vmax.f32 v49, $0.0e+00;
	v17 =	vld [tilespmem:s18+$0x5160];
	v44 =	vadd.f32 v39, v31;
	v31 =	vmul.f32 v32, v33  }
0xc5: {  	v33 =	vadd.f32 v41, v13;
	v39 =	vmul.f32 v43, v10;
	v34 =	vadd.f32 v34, v8  }
0xc6: {  	v41 =	vmax.f32 v42, $0.0e+00;
	v42 =	vmul.f32 v44, v44;
	v31 =	vmul.f32 v31, v32  }
0xc7: {  	v36 =	vsub.f32 v36, v52;
	v33 =	vadd.f32 v39, v33;
	v39 =	vmul.f32 v41, v11  }
0xc8: {  	v34 =	vmax.f32 v34, $0.0e+00;
	v41 =	vadd.f32 $1.000000000e+00, v42;
	v31 =	vsub.f32 $1.500000000e+00, v31  }
0xc9: {  	v30 =	vsub.f32 v30, v35;
	v39 =	vadd.f32 v39, v33;
	v42 =	vmul.f32 v34, v12;
	v34 =	vld [tilespmem:s12+$0x5130];
	[tilespmem:s16+$0x7920] =	vst v36  }
0xca: {  	v35 =	vshra.s32 v41, $0x1;
	v33 =	vmul.f32 $5.000000000e-01, v41;
	v31 =	vmul.f32 v31, v32;
	v32 =	vld [tilespmem:s12+$0x5170]  }
0xcb: {  	v36 =	vsub.f32 v40, v46;
	v41 =	vsub.s32 $0x5F3759DF, v35;
	[tilespmem:s16+$0x7940] =	vst v30;
	v35 =	vsub.f32 v45, v37  }
0xcc: {  	v37 =	vadd.f32 v42, v39;
	v40 =	vmul.f32 v41, v33;
	v42 =	vsub.f32 $0.0e+00, v31  }
0xcd: {  	vm0 =	veq.f32 v27, $0.0e+00;
	v39 =	vmul.f32 v31, v27;
	v30 =	vmul.f32 v31, v23;
	v27 =	vmovc v44;
	[tilespmem:s16+$0x7950] =	vst v35  }
0xce: {  	v35 =	vperm.xlane v37, v0;
	v44 =	vmul.f32 v41, v40;
	v45 =	vsel vm0, v31, v42;
	[tilespmem:s16+$0x7960] =	vst v36  }
0xcf: {  	s20 =	sshra.s32 s19, $0x2;
	v50 =	vsub.f32 v51, v50;
	v47 =	vmul.f32 v45, v34;
	v49 =	vmul.f32 v39, v32  }
.Ltmp1:
0xd0: {  	v42 =	vadd.f32 v37, v35;
	v37 =	vmul.f32 v45, v19;
	v40 =	vmul.f32 v45, v20;
	v43 =	vld [tilespmem:s20+$0x100];
	(pc) =	sbr.rel @p0 .LBB2_5-.Ltmp1, $4  }
0xd1: {  	v36 =	vmul.f32 v45, v29;
	v44 =	vsub.f32 $1.500000000e+00, v44;
	v46 =	vld [tilespmem:s20+$0x2940];
	v47 =	vsub.f32 v47, v49;
	[tilespmem:s16+$0x7970] =	vst v50;
	s16 =	smov.u32 s12;
	s12 =	smov.u32 s13;
	s13 =	smov.u32 s18  }
0xd2: {  	v35 =	vmul.f32 v39, v19;
	v19 =	vmovc v14;
	v14 =	vmovc v48;
	v50 =	vmul.f32 v39, v23;
	v23 =	vmov v15;
	s18 =	smov.u32 s20;
	v45 =	vld [tilespmem:s20+$0x110]  }
0xd3: {  	v49 =	vperm.xlane v42, v1;
	v15 =	vmov v53;
	v41 =	vmul.f32 v41, v44;
	v48 =	vld [tilespmem:s18+$0x2950];
	[tilespmem:s16+$0x7930] =	vst v47  }
0xd4: {  	s19 =	sadd.s32 $0x200, s19;
	v44 =	vmul.f32 v39, v25;
	v50 =	vsub.f32 v37, v50;
	v37 =	vmul.f32 v39, v20;
	v20 =	vmovc v38;
	v47 =	vld [tilespmem:s18+$0x120]  }
0xd5: {  	v38 =	vld [tilespmem:s18+$0x2960]  }
0xd6: {  	v51 =	vld [tilespmem:s18+$0x130];
	v43 =	vadd.f32 v46, v43;
	[tilespmem:s16+$0x7900] =	vst v50  }
0xd7: {  	v50 =	vld [tilespmem:s18+$0x2970]  }
0xd8: {  	v43 =	vadd.f32 v43, v5;
	v45 =	vadd.f32 v48, v45;
	_ =	sdelay $0x1  }
0xd9: {  	v45 =	vadd.f32 v45, v6;
	v38 =	vadd.f32 v38, v47;
	v43 =	vmax.f32 v43, $0.0e+00  }
0xda: {  	v42 =	vadd.f32 v42, v49;
	v43 =	vmul.f32 v43, v9  }
0xdb: {  	v38 =	vadd.f32 v38, v7;
	v46 =	vadd.f32 v50, v51;
	v45 =	vmax.f32 v45, $0.0e+00  }
0xdc: {  	v43 =	vadd.f32 v43, v13;
	v45 =	vmul.f32 v45, v10  }
0xdd: {  	v52 =	vperm.xlane v42, v2;
	v46 =	vadd.f32 v46, v8;
	v38 =	vmax.f32 v38, $0.0e+00  }
0xde: {  	v43 =	vadd.f32 v45, v43;
	v38 =	vmul.f32 v38, v11  }
0xdf: {  	v42 =	vadd.f32 v42, v52;
	v53 =	vmax.f32 v46, $0.0e+00  }
0xe0: {  	v38 =	vadd.f32 v38, v43;
	v54 =	vmul.f32 v53, v12  }
0xe1: {  	v55 =	vperm.xlane v42, v4  }
0xe2: {  	v38 =	vadd.f32 v54, v38  }
0xe3: {  	v43 =	vadd.f32 v42, v55  }
0xe4: {  	v57 =	vperm.xlane v38, v0  }
0xe5: {  	v56 =	vmul.f32 v41, v33;
	v58 =	vmul.f32 v43, v43  }
0xe6: {  	v45 =	vadd.f32 v38, v57  }
0xe7: {  	v42 =	vmul.f32 v56, v41;
	v46 =	vadd.f32 $1.000000000e+00, v58  }
0xe8: {  	v59 =	vperm.xlane v45, v1  }
0xe9: {  	v42 =	vsub.f32 $1.500000000e+00, v42;
	v60 =	vshra.s32 v46, $0x1;
	v46 =	vmul.f32 $5.000000000e-01, v46  }
0xea: {  	v44 =	vsub.f32 v40, v44;
	v48 =	vsub.s32 $0x5F3759DF, v60;
	v45 =	vadd.f32 v45, v59  }
0xeb: {  	v40 =	vld [tilespmem:s18+$0x5140];
	v61 =	vmul.f32 v42, v41;
	v62 =	vmul.f32 v48, v46  }
0xec: {  	v54 =	vmul.f32 v39, v28;
	v38 =	vld [tilespmem:s18+$0x5100];
	[tilespmem:s16+$0x7910] =	vst v44;
	v47 =	vperm.xlane v45, v2  }
0xed: {  	v63 =	vmul.f32 v61, v33;
	v41 =	vld [tilespmem:s18+$0x5110];
	v55 =	vmul.f32 v48, v62  }
0xee: {  	v33 =	vld [tilespmem:s18+$0x5150];
	v45 =	vadd.f32 v45, v47  }
0xef: {  	v36 =	vsub.f32 v36, v54;
	v42 =	vld [tilespmem:s18+$0x5120];
	v44 =	vmul.f32 v63, v61;
	v57 =	vsub.f32 $1.500000000e+00, v55  }
0xf0: {  	v56 =	vmul.f32 v39, v29;
	v29 =	vld [tilespmem:s18+$0x5160];
	v59 =	vperm.xlane v45, v4  }
0xf1: {  	v58 =	vsub.f32 $1.500000000e+00, v44;
	v44 =	vld [tilespmem:s12+$0x5130];
	[tilespmem:s16+$0x7920] =	vst v36;
	v36 =	vmul.f32 v48, v57  }
0xf2: {  	v34 =	vmul.f32 v39, v34;
	v25 =	vmul.f32 v31, v25;
	v45 =	vadd.f32 v45, v59  }
0xf3: {  	v39 =	vmul.f32 v58, v61;
	v62 =	vmul.f32 v36, v46  }
0xf4: {  	v30 =	vsub.f32 v30, v35;
	v60 =	vmul.f32 v31, v28;
	v52 =	vmul.f32 v45, v45  }
0xf5: {  	vm0 =	veq.f32 v27, $0.0e+00;
	v63 =	vsub.f32 $0.0e+00, v39;
	v53 =	vmul.f32 v62, v36  }
0xf6: {  	v28 =	vsub.f32 v60, v56;
	v61 =	vmul.f32 v31, v32;
	v48 =	vld [tilespmem:s12+$0x5170];
	v55 =	vadd.f32 $1.000000000e+00, v52  }
0xf7: {  	v49 =	vmul.f32 v39, v27;
	v54 =	vsel vm0, v39, v63;
	v27 =	vsub.f32 $1.500000000e+00, v53  }
0xf8: {  	v56 =	vmul.f32 v54, v44;
	v59 =	vshra.s32 v55, $0x1;
	v35 =	vmul.f32 $5.000000000e-01, v55  }
0xf9: {  	v58 =	vmul.f32 v54, v19;
	v27 =	vmul.f32 v27, v36;
	v36 =	vsub.s32 $0x5F3759DF, v59  }
0xfa: {  	v25 =	vsub.f32 v25, v37;
	v60 =	vmul.f32 v54, v20;
	v63 =	vmul.f32 v36, v35  }
0xfb: {  	[tilespmem:s16+$0x7940] =	vst v30;
	v62 =	vmul.f32 v49, v23;
	v57 =	vmul.f32 v49, v48  }
0xfc: {  	[tilespmem:s16+$0x7950] =	vst v25;
	v61 =	vsub.f32 v61, v34;
	v32 =	vmul.f32 v54, v26;
	v54 =	vmul.f32 v36, v63  }
0xfd: {  	[tilespmem:s16+$0x7960] =	vst v28;
	v53 =	vsub.f32 v58, v62;
	v51 =	vsub.f32 v56, v57;
	v52 =	vmul.f32 v49, v21  }
0xfe: {  	[tilespmem:s16+$0x7970] =	vst v61;
	v46 =	vmul.f32 v27, v46;
	v55 =	vmul.f32 v49, v22;
	v58 =	vsub.f32 $1.500000000e+00, v54  }
0xff: {  	[tilespmem:s12+$0x7900] =	vst v53;
	v30 =	vsub.f32 v60, v52  }
0x100: {  	[tilespmem:s12+$0x7930] =	vst v51;
	v56 =	vmul.f32 v46, v27;
	v28 =	vsub.f32 v32, v55;
	v25 =	vmul.f32 v36, v58  }
0x101: {  	v47 =	vmul.f32 v39, v22;
	[tilespmem:s12+$0x7910] =	vst v30  }
0x102: {  	v31 =	vld [tilespmem:s13+$0x5130];
	v60 =	vsub.f32 $1.500000000e+00, v56;
	[tilespmem:s12+$0x7920] =	vst v28;
	v63 =	vmul.f32 v49, v44;
	v44 =	vmul.f32 v25, v35  }
0x103: {  	v61 =	vmul.f32 v49, v20;
	v62 =	vmul.f32 v49, v26;
	v30 =	vld [tilespmem:s13+$0x5170]  }
0x104: {  	vm14 =	veq.f32 v43, $0.0e+00;
	v27 =	vmul.f32 v60, v27;
	v32 =	vmul.f32 v44, v25  }
0x105: {  	v50 =	vmul.f32 v39, v48;
	v57 =	vmul.f32 v39, v23;
	v53 =	vsub.f32 v47, v62  }
0x106: {  	v59 =	vmul.f32 v49, v19;
	v51 =	vmul.f32 v27, v43;
	v32 =	vsub.f32 $1.500000000e+00, v32  }
0x107: {  	v46 =	vmul.f32 v39, v21;
	v49 =	vsub.f32 $0.0e+00, v27;
	v43 =	vmul.f32 v27, v16  }
0x108: {  	v19 =	vsub.f32 v57, v59;
	v54 =	vmul.f32 v51, v30;
	v25 =	vmul.f32 v32, v25  }
0x109: {  	v34 =	vsel vm14, v27, v49;
	v57 =	vmul.f32 v51, v15;
	v59 =	vmul.f32 v51, v16  }
0x10a: {  	v20 =	vsub.f32 v46, v61;
	[tilespmem:s12+$0x7940] =	vst v19;
	v52 =	vmul.f32 v34, v31;
	v61 =	vmul.f32 v25, v35  }
0x10b: {  	[tilespmem:s12+$0x7960] =	vst v53;
	v56 =	vsub.f32 v50, v63;
	v63 =	vmul.f32 v51, v17;
	v55 =	vmul.f32 v34, v14  }
0x10c: {  	[tilespmem:s12+$0x7950] =	vst v20;
	v58 =	vmul.f32 v34, v24;
	v21 =	vsub.f32 v52, v54;
	v32 =	vmul.f32 v61, v25  }
0x10d: {  	[tilespmem:s12+$0x7970] =	vst v56;
	v15 =	vmul.f32 v27, v15;
	v62 =	vmul.f32 v34, v18;
	v60 =	vsub.f32 v55, v57  }
0x10e: {  	v36 =	vmul.f32 v51, v24;
	v19 =	vsub.f32 v58, v59;
	[tilespmem:s13+$0x7930] =	vst v21;
	v20 =	vsub.f32 $1.500000000e+00, v32  }
0x10f: {  	v39 =	vmul.f32 v51, v18;
	v23 =	vmul.f32 v51, v31;
	v34 =	vsub.f32 v62, v63;
	[tilespmem:s13+$0x7900] =	vst v60  }
0x110: {  	v14 =	vmul.f32 v51, v14;
	[tilespmem:s13+$0x7910] =	vst v19;
	v20 =	vmul.f32 v20, v25  }
0x111: {  	v47 =	vmul.f32 v27, v30;
	v44 =	vmul.f32 v27, v17;
	v35 =	vld [tilespmem:s18+$0x5130];
	[tilespmem:s13+$0x7920] =	vst v34  }
0x112: {  	v16 =	vsub.f32 v43, v36;
	v14 =	vsub.f32 v15, v14;
	v37 =	vld [tilespmem:s18+$0x5170];
	v15 =	vmul.f32 v20, v45  }
0x113: {  	vm15 =	veq.f32 v45, $0.0e+00;
	v51 =	vsub.f32 v47, v23;
	v46 =	vsub.f32 $0.0e+00, v20  }
0x114: {  	[tilespmem:s13+$0x7940] =	vst v14;
	v14 =	vsub.f32 v44, v39;
	v57 =	vmul.f32 v20, v40;
	v58 =	vmul.f32 v15, v38  }
0x115: {  	[tilespmem:s13+$0x7950] =	vst v16;
	v60 =	vmul.f32 v20, v33;
	v48 =	vsel vm15, v20, v46;
	v59 =	vmul.f32 v15, v41  }
0x116: {  	[tilespmem:s13+$0x7960] =	vst v14;
	v54 =	vmul.f32 v15, v33;
	v14 =	vmul.f32 v48, v41;
	v63 =	vsub.f32 v57, v58  }
0x117: {  	[tilespmem:s13+$0x7970] =	vst v51;
	v50 =	vmul.f32 v15, v37;
	v49 =	vmul.f32 v48, v35;
	v16 =	vsub.f32 v60, v59  }
0x118: {  	v53 =	vmul.f32 v15, v40;
	v52 =	vmul.f32 v48, v38;
	v14 =	vsub.f32 v14, v54;
	[tilespmem:s18+$0x7940] =	vst v63  }
0x119: {  	v56 =	vmul.f32 v15, v29;
	v19 =	vmul.f32 v48, v42;
	v17 =	vsub.f32 v49, v50;
	[tilespmem:s18+$0x7950] =	vst v16  }
0x11a: {  	v62 =	vmul.f32 v15, v42;
	v55 =	vsub.f32 v52, v53;
	[tilespmem:s18+$0x7910] =	vst v14;
	v14 =	vmul.f32 v20, v29  }
0x11b: {  	v15 =	vmul.f32 v15, v35;
	v61 =	vsub.f32 v19, v56;
	[tilespmem:s18+$0x7930] =	vst v17;
	v20 =	vmul.f32 v20, v37  }
0x11c: {  	[tilespmem:s18+$0x7900] =	vst v55;
	v14 =	vsub.f32 v14, v62  }
0x11d: {  	s11 =	sadd.s32 $0x1, s11;
	[tilespmem:s18+$0x7920] =	vst v61;
	v15 =	vsub.f32 v20, v15  }
0x11e: {  	p0 =	sne.s32 s11, $0x7D;
	[tilespmem:s18+$0x7960] =	vst v14  }
.Ltmp2:
0x11f: {  	[tilespmem:s18+$0x7970] =	vst v15;
	(pc) =	sbr.rel @p0 .LBB2_4-.Ltmp2, $4  }
0x120: {  	[spmem:s2] =	stream.indirect.scatter.add.f32 [tilespmem:s28], [sflag:$0x4], $0x80, s31, s0, $0xb8;
	[tilespmem:$0x1E300] =	vst v63  }
0x121: {  	_ =	swait.ge [sflag:s29], $0x2800  }
0x122: {  	[sflag:s29] =	ssyncset.done $0x0  }
0x123: {  	[sflag:s29] =	ssyncadd.s32 $0xFFFFD800  }
0x124: {  	s10 =	stileid.u32  }
0x125: {  	[bflag:$0x0] =	sbarrier.arrive $0xFFFF;
	s10 =	sshll.u32 s10, $0x6  }
0x126: {  	s11 =	sshrl.u32 s21, $0x3;
	s12 =	rddreg [dreg:$0x4];
	s10 =	sor.u32 $0x1C04, s10  }
0x127: {  	[hbm:s12], [sflag:s10] =	dma.local [spmem:s11], $0x500  }
0x128: {  	_ =	swait.ge [sflag:s29], $0x500  }
0x129: {  	[sflag:s29] =	ssyncset.done $0x0;
	s16 =	rddreg [dreg:$0xe]  }
0x12a: {  	s18 =	rddreg [dreg:$0x5];
	[sflag:s29] =	ssyncadd.s32 $0xFFFFFB00;
	s11 =	sshrl.u32 s16, $0x3  }
0x12b: {  	[hbm:s18], [sflag:s10] =	dma.local [spmem:s11], $0x500  }
0x12c: {  	_ =	swait.ge [sflag:s29], $0x500  }
0x12d: {  	s20 =	smov.u32 s21;
	[sflag:s29] =	ssyncset.done $0x0;
	s19 =	rddreg [dreg:$0xf]  }
0x12e: {  	s21 =	rddreg [dreg:$0x6];
	[sflag:s29] =	ssyncadd.s32 $0xFFFFFB00;
	s11 =	sshrl.u32 s19, $0x3  }
0x12f: {  	[hbm:s21], [sflag:s10] =	dma.local [spmem:s11], $0x500  }
0x130: {  	_ =	swait.ge [sflag:s29], $0x500  }
0x131: {  	[sflag:s29] =	ssyncset.done $0x0  }
0x132: {  	s12 =	sshrl.u32 s22, $0x3;
	s13 =	rddreg [dreg:$0x7];
	[sflag:s29] =	ssyncadd.s32 $0xFFFFFB00  }
0x133: {  	[hbm:s13], [sflag:s10] =	dma.local [spmem:s12], $0x500  }
0x134: {  	_ =	swait.ge [sflag:s29], $0x500  }
0x135: {  	[sflag:s29] =	ssyncset.done $0x0  }
0x136: {  	s16 =	sshrl.u32 s23, $0x3;
	s18 =	rddreg [dreg:$0x8];
	[sflag:s29] =	ssyncadd.s32 $0xFFFFFB00  }
0x137: {  	[hbm:s18], [sflag:s10] =	dma.local [spmem:s16], $0x500  }
0x138: {  	_ =	swait.ge [sflag:s29], $0x500  }
0x139: {  	[sflag:s29] =	ssyncset.done $0x0  }
0x13a: {  	s19 =	sshrl.u32 s24, $0x3;
	s21 =	rddreg [dreg:$0x9];
	[sflag:s29] =	ssyncadd.s32 $0xFFFFFB00  }
0x13b: {  	[hbm:s21], [sflag:s10] =	dma.local [spmem:s19], $0x500  }
0x13c: {  	_ =	swait.ge [sflag:s29], $0x500  }
0x13d: {  	[sflag:s29] =	ssyncset.done $0x0  }
0x13e: {  	s13 =	sshrl.u32 s25, $0x3;
	s16 =	rddreg [dreg:$0xa];
	[sflag:s29] =	ssyncadd.s32 $0xFFFFFB00  }
0x13f: {  	[hbm:s16], [sflag:s10] =	dma.local [spmem:s13], $0x500  }
0x140: {  	_ =	swait.ge [sflag:s29], $0x500  }
0x141: {  	[sflag:s29] =	ssyncset.done $0x0  }
0x142: {  	s18 =	sshrl.u32 s26, $0x3;
	s19 =	rddreg [dreg:$0xb];
	[sflag:s29] =	ssyncadd.s32 $0xFFFFFB00  }
0x143: {  	[hbm:s19], [sflag:s10] =	dma.local [spmem:s18], $0x500  }
0x144: {  	_ =	swait.ge [sflag:s29], $0x500  }
0x145: {  	s9 =	sadd.s32 $0x1, s9;
	s21 =	rddreg [dreg:$0xd]  }
0x146: {  	p0 =	sne.s32 s9, s21  }
.Ltmp3:
0x147: {  	_ = 	snop;
	(pc) =	sbr.rel @p0 .LBB2_1-.Ltmp3, $3  }
0x148: {  	_ =	sdelay $0x1  }
0x149: {  	[sflag:s29] =	ssyncset.done $0x0  }
0x14a: {  	[sflag:s29] =	ssyncadd.s32 $0xFFFFFB00  }
0x14b: {  	_ =	sfence.sel $0x180000  }
0x14c: {  	[bflag:$0x0] =	sbarrier.arrive $0xFFFF  }
0x14d: {  	_ =	strace $0x9000004A  }
0x14e: {  	s0 =	stileid.u32;
	[bflag:$0x2] =	sbarrier.arrive $0xFFFF  }
0x14f: {  	p0 =	sne.s32 s0, $0x0;
	s0 =	rddreg [dreg:$0x3]  }
0x150: {  	s0 =	sadd.s32 @!p0 $0x100000, s0  }
0x151: {  	[sflag:s0] =	ssyncadd.tile.s32 @!p0 $0x1;
	_ =	shalt  }
.Lfunc_end2:
_tile_overlayer_lowered:
.L_overlay_start_2:
0x152: {  	(tag) =	ssettag $0x2  }
0x153: {  	s0 =	rddreg [dreg:$0x0];
	s2 =	stileid.u32  }
0x154: {  	s1 =	rddreg [dreg:$0x1];
	p0 =	sne.s32 s2, $0x0  }
0x155: {  	s3 =	rddreg [dreg:$0x2];
	[bflag:$0x3] =	sbarrier.arrive $0xFFFF;
	s2 =	simm.s32 @!p0 $0x1C04  }
0x156: {  	[timem:s3], [sflag:s2] =	dma.local @!p0 [hbm:s0], s1  }
0x157: {  	s0 =	simm.s32 @!p0 $0x4  }
0x158: {  	_ =	swait.ge @!p0 [sflag:s0], s1  }
0x159: {  	s1 =	ssub.s32 @!p0 $0x0, s1;
	[sflag:s0] =	ssyncset.done @!p0 $0x0  }
0x15a: {  	[sflag:s0] =	ssyncadd.s32 @!p0 s1  }
0x15b: {  	[bflag:$0x3] =	sbarrier.arrive $0xFFFF  }
0x15c: {  	_ =	shalt  }

</sc_bundles>
